<compile_context>
chip_gen: v7x
topology: tpu7x:2x2x1
jax: 0.10.2.dev20260603
libtpu: 0.0.44.dev20260713+nightly
codegen_flags: <defaults>
</compile_context>

<pallas_src>
import functools

import jax
import jax.numpy as jnp
from jax import lax
from jax.experimental import pallas as pl
from jax.experimental.pallas import tpu as pltpu
from jax.experimental.pallas import tpu_sc as plsc

K = 1024
D = 64
DECAY = 0.99
EPSILON = 1e-05

NC = 2
NS = 16
NW = NC * NS
CH = 128
W = 128


def _tc_body(x_ref, cbt_ref, disc_ref, idx_ref, xe_ref, *, T):
    xb = x_ref[...]
    cbt = cbt_ref[...]

    x2 = jnp.sum(xb * xb, axis=1, keepdims=True)
    c2 = jnp.sum(cbt * cbt, axis=0, keepdims=True)
    dot = jax.lax.dot_general(xb, cbt, (((1,), (0,)), ((), ())),
                              preferred_element_type=jnp.float32)
    d = (x2 + (-2.0) * dot) + c2

    m = jnp.min(d, axis=1, keepdims=True)
    lane = jax.lax.broadcasted_iota(jnp.int32, (T, K), 1)
    cand = jnp.where(d == m, lane, K)
    idxc = jnp.min(cand, axis=1)[:, None]
    idx_ref[...] = idxc
    disc_ref[...] = (jax.lax.broadcasted_iota(jnp.int32, (T, K), 1)
                     == idxc).astype(jnp.float32)
    ones = jnp.ones((T, 1), jnp.float32)
    zeros = jnp.zeros((T, W - D - 1), jnp.float32)
    xe_ref[...] = jnp.concatenate([xb, ones, zeros], axis=1)


def _sc_body(xe_hbm, cb_hbm, idx_hbm, zw_hbm,
             quant_hbm, wsum_out,
             ir_v, xev, rows_v,
             wsum_sh, sem_l, sem_g, sem_s, sem_a, *, nch, per_w):
    cid = lax.axis_index("c")
    sid = lax.axis_index("s")
    wid = sid * NC + cid

    @pl.when(sid == 0)
    def _init():
        pltpu.sync_copy(zw_hbm, wsum_sh)

    plsc.subcore_barrier()

    def fire_loads(j):
        s = j % 3
        base = wid * per_w + j * CH
        return [
            pltpu.async_copy(idx_hbm.at[pl.ds(base, CH)], ir_v[s], sem_l[s]),
            pltpu.async_copy(xe_hbm.at[pl.ds(base, CH)], xev[s], sem_l[s]),
        ]

    def fire_gather(j):
        return pltpu.async_copy(cb_hbm.at[ir_v[j % 3]], rows_v[j % 2],
                                sem_g[j % 2])

    pending = {0: fire_loads(0)}
    for c in pending.pop(0):
        c.wait()
    gath = {0: fire_gather(0)}
    if nch > 1:
        pending[1] = fire_loads(1)
    stores = {}
    adds = {}
    for j in range(nch):
        s3, s2 = j % 3, j % 2
        base = wid * per_w + j * CH
        gath.pop(j).wait()
        stores[j] = pltpu.async_copy(
            rows_v[s2], quant_hbm.at[pl.ds(base, CH)], sem_s[s2])
        adds[j] = pltpu.async_copy(
            xev[s3], wsum_sh.at[ir_v[s3]], sem_a[s3], add=True)
        if j + 1 < nch:
            for c in pending.pop(j + 1):
                c.wait()
            if (j - 1) in stores:
                stores.pop(j - 1).wait()
            gath[j + 1] = fire_gather(j + 1)
            if j + 2 < nch:
                if (j - 1) in adds:
                    adds.pop(j - 1).wait()
                pending[j + 2] = fire_loads(j + 2)
    for c in stores.values():
        c.wait()
    for c in adds.values():
        c.wait()

    plsc.subcore_barrier()

    @pl.when(sid == 0)
    def _flush():
        pltpu.sync_copy(wsum_sh, wsum_out.at[cid])


def _finalize_body(wsum_ref, emac_ref, emaw_ref,
                   cnt_out, wgt_out, emb_out, *, batch_size):
    counts = wsum_ref[0, :, D:D + 1] + wsum_ref[1, :, D:D + 1]
    sums = wsum_ref[0, :, :D] + wsum_ref[1, :, :D]
    nc = emac_ref[...] * DECAY + counts * (1.0 - DECAY)
    nc = (nc + EPSILON) / (batch_size + K * EPSILON) * batch_size
    nw = emaw_ref[...] * DECAY + sums * (1.0 - DECAY)
    cnt_out[...] = nc
    wgt_out[...] = nw
    emb_out[...] = nw / nc


def kernel(x, codebook, ema_count, ema_weight):
    batch_size = x.shape[0]
    x_flat = x.reshape(-1, D)
    N = x_flat.shape[0]
    T = 2048
    nblocks = N // T
    per_w = N // NW
    nch = per_w // CH

    tc = functools.partial(_tc_body, T=T)
    disc, idxc, xe = pl.pallas_call(
        tc,
        grid=(nblocks,),
        in_specs=[
            pl.BlockSpec((T, D), lambda i: (i, 0)),
            pl.BlockSpec((D, K), lambda i: (0, 0)),
        ],
        out_specs=[
            pl.BlockSpec((T, K), lambda i: (i, 0)),
            pl.BlockSpec((T, 1), lambda i: (i, 0)),
            pl.BlockSpec((T, W), lambda i: (i, 0)),
        ],
        out_shape=[
            jax.ShapeDtypeStruct((N, K), jnp.float32),
            jax.ShapeDtypeStruct((N, 1), jnp.int32),
            jax.ShapeDtypeStruct((N, W), jnp.float32),
        ],
    )(x_flat, codebook.T)

    idx1 = idxc.reshape(N)
    cb_pad = jnp.concatenate(
        [codebook, jnp.zeros((K, W - D), jnp.float32)], axis=1)
    zw = jnp.zeros((K, W), jnp.float32)

    mesh = plsc.VectorSubcoreMesh(core_axis_name="c", subcore_axis_name="s")
    sc = functools.partial(_sc_body, nch=nch, per_w=per_w)
    sc_kernel = pl.kernel(
        sc,
        out_type=[
            jax.ShapeDtypeStruct((N, W), jnp.float32),
            jax.ShapeDtypeStruct((NC, K, W), jnp.float32),
        ],
        mesh=mesh,
        scratch_types=[
            [pltpu.VMEM((CH,), jnp.int32)] * 3,
            [pltpu.VMEM((CH, W), jnp.float32)] * 3,
            [pltpu.VMEM((CH, W), jnp.float32)] * 2,
            pltpu.VMEM_SHARED((K, W), jnp.float32),
            [pltpu.SemaphoreType.DMA] * 3,
            [pltpu.SemaphoreType.DMA] * 2,
            [pltpu.SemaphoreType.DMA] * 2,
            [pltpu.SemaphoreType.DMA] * 3,
        ],
    )
    quantp, wsum_p = sc_kernel(xe, cb_pad, idx1, zw)

    fin = functools.partial(_finalize_body, batch_size=batch_size)
    new_count, new_weight, new_emb = pl.pallas_call(
        fin,
        out_shape=[
            jax.ShapeDtypeStruct((K, 1), jnp.float32),
            jax.ShapeDtypeStruct((K, D), jnp.float32),
            jax.ShapeDtypeStruct((K, D), jnp.float32),
        ],
    )(wsum_p, ema_count.reshape(K, 1), ema_weight)

    quantized = quantp[:, :D].reshape(x.shape)
    return (disc, quantized, new_count.reshape(K), new_weight, new_emb)

# --- scband reference (transcript-rebuilt; emitter-appended) ---
"""Pipeline reference for scband-vector-quantizer-ema-89850715832448 (READ-ONLY COPY).

The authoritative reference and input builder live on the scoring server;
editing this copy changes nothing except your own understanding.
"""

import jax, jax.numpy as jnp
import numpy as np

NUM_EMBEDDINGS = 1024
EMBEDDING_DIM = 64
DECAY = 0.99
EPSILON = 1e-05


def setup_inputs(seed: int = 0) -> dict:
    key = jax.random.key(seed)
    k1, k2, k3 = jax.random.split(key, 3)
    x = jax.random.normal(k1, (64, 576, EMBEDDING_DIM), dtype=jnp.float32)
    # codebook: variance_scaling(1.0, 'fan_in', 'normal') over (K, D)
    codebook = jax.random.normal(k2, (NUM_EMBEDDINGS, EMBEDDING_DIM), dtype=jnp.float32) * (1.0 / np.sqrt(EMBEDDING_DIM))
    ema_count = jnp.zeros((NUM_EMBEDDINGS,), dtype=jnp.float32)
    # ema_weight: variance_scaling(1/3, 'fan_in', 'uniform')
    lim = np.sqrt(3.0 * (1.0 / 3.0) / EMBEDDING_DIM)
    ema_weight = jax.random.uniform(k3, (NUM_EMBEDDINGS, EMBEDDING_DIM), dtype=jnp.float32, minval=-lim, maxval=lim)
    return {"x": x, "codebook": codebook, "ema_count": ema_count, "ema_weight": ema_weight}


def reference(x, codebook, ema_count, ema_weight):
    batch_size = x.shape[0]
    x_flatten = x.reshape(-1, EMBEDDING_DIM)
    distances = (jnp.sum(x_flatten ** 2, axis=1, keepdims=True)
                 + -2.0 * jnp.dot(x_flatten, codebook.T)
                 + jnp.sum(codebook ** 2, axis=1))
    idx = jnp.argmin(distances, axis=1)
    discrete = jax.nn.one_hot(idx, NUM_EMBEDDINGS)
    quantized = jnp.dot(discrete, codebook)
    quantized = quantized.reshape(x.shape)
    # training=True branch: EMA state update (stop_gradient side effect)
    new_count = ema_count * DECAY + jnp.sum(discrete, axis=0) * (1.0 - DECAY)
    new_count = (new_count + EPSILON) / (batch_size + NUM_EMBEDDINGS * EPSILON) * batch_size
    new_weight = ema_weight * DECAY + jnp.dot(discrete.T, x_flatten) * (1.0 - DECAY)
    new_embeddings = new_weight / new_count[:, None]
    new_count, new_weight, new_embeddings = jax.lax.stop_gradient((new_count, new_weight, new_embeddings))
    return (discrete, quantized, new_count, new_weight, new_embeddings)

if __name__ == "__main__":
    import jax
    _d = setup_inputs()
    print(jax.jit(kernel)(*tuple(_d.values())))

</pallas_src>

<mosaic_0001>
#map = affine_map<(d0, d1) -> (0, 0)>
#map1 = affine_map<(d0, d1) -> (0)>
#map2 = affine_map<(d0, d1) -> (0, 0, 0)>
module attributes {stable_mosaic.version = 14 : i64} {
  func.func @_sc_body(%arg0: i32, %arg1: i32, %arg2: memref<36864x128xf32, #tpu.memory_space<hbm>>, %arg3: memref<1024x128xf32, #tpu.memory_space<hbm>>, %arg4: memref<36864xi32, #tpu.memory_space<hbm>>, %arg5: memref<1024x128xf32, #tpu.memory_space<hbm>>, %arg6: memref<36864x128xf32, #tpu.memory_space<hbm>>, %arg7: memref<2x1024x128xf32, #tpu.memory_space<hbm>>, %arg8: memref<128xi32, #tpu.memory_space<vmem>>, %arg9: memref<128xi32, #tpu.memory_space<vmem>>, %arg10: memref<128xi32, #tpu.memory_space<vmem>>, %arg11: memref<128x128xf32, #tpu.memory_space<vmem>>, %arg12: memref<128x128xf32, #tpu.memory_space<vmem>>, %arg13: memref<128x128xf32, #tpu.memory_space<vmem>>, %arg14: memref<128x128xf32, #tpu.memory_space<vmem>>, %arg15: memref<128x128xf32, #tpu.memory_space<vmem>>, %arg16: memref<1024x128xf32, #tpu.memory_space<vmem_shared>>, %arg17: memref<!tpu.dma_semaphore, #tpu.memory_space<semaphore_mem>>, %arg18: memref<!tpu.dma_semaphore, #tpu.memory_space<semaphore_mem>>, %arg19: memref<!tpu.dma_semaphore, #tpu.memory_space<semaphore_mem>>, %arg20: memref<!tpu.dma_semaphore, #tpu.memory_space<semaphore_mem>>, %arg21: memref<!tpu.dma_semaphore, #tpu.memory_space<semaphore_mem>>, %arg22: memref<!tpu.dma_semaphore, #tpu.memory_space<semaphore_mem>>, %arg23: memref<!tpu.dma_semaphore, #tpu.memory_space<semaphore_mem>>, %arg24: memref<!tpu.dma_semaphore, #tpu.memory_space<semaphore_mem>>, %arg25: memref<!tpu.dma_semaphore, #tpu.memory_space<semaphore_mem>>, %arg26: memref<!tpu.dma_semaphore, #tpu.memory_space<semaphore_mem>>) attributes {dimension_semantics = [#tpu.dimension_semantics<core_parallel>, #tpu.dimension_semantics<subcore_parallel>], iteration_bounds = array<i64: 2, 16>, scalar_prefetch = 0 : i64, scratch_operands = 19 : i64, tpu.core_type = #tpu.core_type<sc_vector_subcore>, window_params = [{transform_indices = #map}, {transform_indices = #map}, {transform_indices = #map1}, {transform_indices = #map}, {transform_indices = #map}, {transform_indices = #map2}]} {
    %mul3A = arith.constant 2 : i32
    %mul3A_0 = arith.muli %arg1, %mul3A : i32
    %add3A = arith.addi %mul3A_0, %arg0 : i32
    %eq3A = arith.constant 0 : i32
    %eq3A_1 = arith.cmpi eq, %arg1, %eq3A : i32
    %convert_element_type3A = arith.extui %eq3A_1 : i1 to i32
    %cond3A = arith.constant 0 : i32
    %cond3A_2 = arith.cmpi ne, %convert_element_type3A, %cond3A : i32
    scf.if %cond3A_2 {
      "tpu.region"() ({
        %run_scoped3A = tpu.sem_alloc : memref<!tpu.dma_semaphore, #tpu.memory_space<semaphore_mem>>
        tpu.enqueue_dma source(%arg5 : memref<1024x128xf32, #tpu.memory_space<hbm>>) target(%arg16 : memref<1024x128xf32, #tpu.memory_space<vmem_shared>>) target_semaphore(%run_scoped3A : memref<!tpu.dma_semaphore, #tpu.memory_space<semaphore_mem>>)
        tpu.wait_dma2 semaphore(%run_scoped3A : memref<!tpu.dma_semaphore, #tpu.memory_space<semaphore_mem>>) src(%arg5 : memref<1024x128xf32, #tpu.memory_space<hbm>>) dst(%arg16 : memref<1024x128xf32, #tpu.memory_space<vmem_shared>>)
        tpu.yield
      }) : () -> ()
    } else {
    }
    %barrier3A = arith.constant 0 : index
    tpu.barrier barrier_id(%barrier3A)
    %mul3A_3 = arith.constant 1152 : i32
    %mul3A_4 = arith.muli %add3A, %mul3A_3 : i32
    %add3A_5 = arith.constant 0 : i32
    %add3A_6 = arith.addi %mul3A_4, %add3A_5 : i32
    %dma_start3A = tpu.memref_slice %arg4[%add3A_6] : memref<36864xi32, #tpu.memory_space<hbm>> -> memref<128xi32, #tpu.memory_space<hbm>>
    %dma_start3A_7 = tpu.memref_slice %arg4[%add3A_6] : memref<36864xi32, #tpu.memory_space<hbm>> -> memref<128xi32, #tpu.memory_space<hbm>>
    tpu.enqueue_dma source(%dma_start3A_7 : memref<128xi32, #tpu.memory_space<hbm>>) target(%arg8 : memref<128xi32, #tpu.memory_space<vmem>>) target_semaphore(%arg17 : memref<!tpu.dma_semaphore, #tpu.memory_space<semaphore_mem>>)
    %dma_start3A_8 = arith.constant 0 : i32
    %dma_start3A_9 = tpu.memref_slice %arg2[%add3A_6, %dma_start3A_8] : memref<36864x128xf32, #tpu.memory_space<hbm>> -> memref<128x128xf32, #tpu.memory_space<hbm>>
    %dma_start3A_10 = arith.constant 0 : i32
    %dma_start3A_11 = tpu.memref_slice %arg2[%add3A_6, %dma_start3A_10] : memref<36864x128xf32, #tpu.memory_space<hbm>> -> memref<128x128xf32, #tpu.memory_space<hbm>>
    tpu.enqueue_dma source(%dma_start3A_11 : memref<128x128xf32, #tpu.memory_space<hbm>>) target(%arg11 : memref<128x128xf32, #tpu.memory_space<vmem>>) target_semaphore(%arg17 : memref<!tpu.dma_semaphore, #tpu.memory_space<semaphore_mem>>)
    %dma_wait3A = tpu.memref_slice %arg4[%add3A_6] : memref<36864xi32, #tpu.memory_space<hbm>> -> memref<128xi32, #tpu.memory_space<hbm>>
    %dma_wait3A_12 = tpu.memref_slice %arg4[%add3A_6] : memref<36864xi32, #tpu.memory_space<hbm>> -> memref<128xi32, #tpu.memory_space<hbm>>
    tpu.wait_dma2 semaphore(%arg17 : memref<!tpu.dma_semaphore, #tpu.memory_space<semaphore_mem>>) src(%dma_wait3A_12 : memref<128xi32, #tpu.memory_space<hbm>>) dst(%arg8 : memref<128xi32, #tpu.memory_space<vmem>>)
    %dma_wait3A_13 = arith.constant 0 : i32
    %dma_wait3A_14 = tpu.memref_slice %arg2[%add3A_6, %dma_wait3A_13] : memref<36864x128xf32, #tpu.memory_space<hbm>> -> memref<128x128xf32, #tpu.memory_space<hbm>>
    %dma_wait3A_15 = arith.constant 0 : i32
    %dma_wait3A_16 = tpu.memref_slice %arg2[%add3A_6, %dma_wait3A_15] : memref<36864x128xf32, #tpu.memory_space<hbm>> -> memref<128x128xf32, #tpu.memory_space<hbm>>
    tpu.wait_dma2 semaphore(%arg17 : memref<!tpu.dma_semaphore, #tpu.memory_space<semaphore_mem>>) src(%dma_wait3A_16 : memref<128x128xf32, #tpu.memory_space<hbm>>) dst(%arg11 : memref<128x128xf32, #tpu.memory_space<vmem>>)
    %dma_start3A_17 = arith.constant 0 : i32
    %dma_start3A_18 = arith.constant 0 : i32
    %dma_start3A_19 = tpu.memref_slice %arg3[%dma_start3A_17, %dma_start3A_18] : memref<1024x128xf32, #tpu.memory_space<hbm>> -> memref<1024x128xf32, #tpu.memory_space<hbm>>
    tpu.enqueue_indirect_dma source(%dma_start3A_19 : memref<1024x128xf32, #tpu.memory_space<hbm>>) target(%arg14 : memref<128x128xf32, #tpu.memory_space<vmem>>) offsets(%arg8 : memref<128xi32, #tpu.memory_space<vmem>>) semaphore(%arg20 : memref<!tpu.dma_semaphore, #tpu.memory_space<semaphore_mem>>)
    %mul3A_20 = arith.constant 1152 : i32
    %mul3A_21 = arith.muli %add3A, %mul3A_20 : i32
    %add3A_22 = arith.constant 128 : i32
    %add3A_23 = arith.addi %mul3A_21, %add3A_22 : i32
    %dma_start3A_24 = tpu.memref_slice %arg4[%add3A_23] : memref<36864xi32, #tpu.memory_space<hbm>> -> memref<128xi32, #tpu.memory_space<hbm>>
    %dma_start3A_25 = tpu.memref_slice %arg4[%add3A_23] : memref<36864xi32, #tpu.memory_space<hbm>> -> memref<128xi32, #tpu.memory_space<hbm>>
    tpu.enqueue_dma source(%dma_start3A_25 : memref<128xi32, #tpu.memory_space<hbm>>) target(%arg9 : memref<128xi32, #tpu.memory_space<vmem>>) target_semaphore(%arg18 : memref<!tpu.dma_semaphore, #tpu.memory_space<semaphore_mem>>)
    %dma_start3A_26 = arith.constant 0 : i32
    %dma_start3A_27 = tpu.memref_slice %arg2[%add3A_23, %dma_start3A_26] : memref<36864x128xf32, #tpu.memory_space<hbm>> -> memref<128x128xf32, #tpu.memory_space<hbm>>
    %dma_start3A_28 = arith.constant 0 : i32
    %dma_start3A_29 = tpu.memref_slice %arg2[%add3A_23, %dma_start3A_28] : memref<36864x128xf32, #tpu.memory_space<hbm>> -> memref<128x128xf32, #tpu.memory_space<hbm>>
    tpu.enqueue_dma source(%dma_start3A_29 : memref<128x128xf32, #tpu.memory_space<hbm>>) target(%arg12 : memref<128x128xf32, #tpu.memory_space<vmem>>) target_semaphore(%arg18 : memref<!tpu.dma_semaphore, #tpu.memory_space<semaphore_mem>>)
    %mul3A_30 = arith.constant 1152 : i32
    %mul3A_31 = arith.muli %add3A, %mul3A_30 : i32
    %add3A_32 = arith.constant 0 : i32
    %add3A_33 = arith.addi %mul3A_31, %add3A_32 : i32
    %dma_wait3A_34 = arith.constant 0 : i32
    %dma_wait3A_35 = arith.constant 0 : i32
    %dma_wait3A_36 = tpu.memref_slice %arg3[%dma_wait3A_34, %dma_wait3A_35] : memref<1024x128xf32, #tpu.memory_space<hbm>> -> memref<1024x128xf32, #tpu.memory_space<hbm>>
    tpu.wait_indirect_dma semaphore(%arg20 : memref<!tpu.dma_semaphore, #tpu.memory_space<semaphore_mem>>) src(%dma_wait3A_36 : memref<1024x128xf32, #tpu.memory_space<hbm>>) dst(%arg14 : memref<128x128xf32, #tpu.memory_space<vmem>>)
    %dma_start3A_37 = arith.constant 0 : i32
    %dma_start3A_38 = tpu.memref_slice %arg6[%add3A_33, %dma_start3A_37] : memref<36864x128xf32, #tpu.memory_space<hbm>> -> memref<128x128xf32, #tpu.memory_space<hbm>>
    %dma_start3A_39 = arith.constant 0 : i32
    %dma_start3A_40 = tpu.memref_slice %arg6[%add3A_33, %dma_start3A_39] : memref<36864x128xf32, #tpu.memory_space<hbm>> -> memref<128x128xf32, #tpu.memory_space<hbm>>
    tpu.enqueue_dma source(%arg14 : memref<128x128xf32, #tpu.memory_space<vmem>>) target(%dma_start3A_40 : memref<128x128xf32, #tpu.memory_space<hbm>>) target_semaphore(%arg22 : memref<!tpu.dma_semaphore, #tpu.memory_space<semaphore_mem>>)
    %dma_start3A_41 = arith.constant 0 : i32
    %dma_start3A_42 = arith.constant 0 : i32
    %dma_start3A_43 = tpu.memref_slice %arg16[%dma_start3A_41, %dma_start3A_42] : memref<1024x128xf32, #tpu.memory_space<vmem_shared>> -> memref<1024x128xf32, #tpu.memory_space<vmem_shared>>
    tpu.enqueue_indirect_dma source(%arg11 : memref<128x128xf32, #tpu.memory_space<vmem>>) target(%dma_start3A_43 : memref<1024x128xf32, #tpu.memory_space<vmem_shared>>) offsets(%arg8 : memref<128xi32, #tpu.memory_space<vmem>>) semaphore(%arg24 : memref<!tpu.dma_semaphore, #tpu.memory_space<semaphore_mem>>) {add = true}
    %dma_wait3A_44 = tpu.memref_slice %arg4[%add3A_23] : memref<36864xi32, #tpu.memory_space<hbm>> -> memref<128xi32, #tpu.memory_space<hbm>>
    %dma_wait3A_45 = tpu.memref_slice %arg4[%add3A_23] : memref<36864xi32, #tpu.memory_space<hbm>> -> memref<128xi32, #tpu.memory_space<hbm>>
    tpu.wait_dma2 semaphore(%arg18 : memref<!tpu.dma_semaphore, #tpu.memory_space<semaphore_mem>>) src(%dma_wait3A_45 : memref<128xi32, #tpu.memory_space<hbm>>) dst(%arg9 : memref<128xi32, #tpu.memory_space<vmem>>)
    %dma_wait3A_46 = arith.constant 0 : i32
    %dma_wait3A_47 = tpu.memref_slice %arg2[%add3A_23, %dma_wait3A_46] : memref<36864x128xf32, #tpu.memory_space<hbm>> -> memref<128x128xf32, #tpu.memory_space<hbm>>
    %dma_wait3A_48 = arith.constant 0 : i32
    %dma_wait3A_49 = tpu.memref_slice %arg2[%add3A_23, %dma_wait3A_48] : memref<36864x128xf32, #tpu.memory_space<hbm>> -> memref<128x128xf32, #tpu.memory_space<hbm>>
    tpu.wait_dma2 semaphore(%arg18 : memref<!tpu.dma_semaphore, #tpu.memory_space<semaphore_mem>>) src(%dma_wait3A_49 : memref<128x128xf32, #tpu.memory_space<hbm>>) dst(%arg12 : memref<128x128xf32, #tpu.memory_space<vmem>>)
    %dma_start3A_50 = arith.constant 0 : i32
    %dma_start3A_51 = arith.constant 0 : i32
    %dma_start3A_52 = tpu.memref_slice %arg3[%dma_start3A_50, %dma_start3A_51] : memref<1024x128xf32, #tpu.memory_space<hbm>> -> memref<1024x128xf32, #tpu.memory_space<hbm>>
    tpu.enqueue_indirect_dma source(%dma_start3A_52 : memref<1024x128xf32, #tpu.memory_space<hbm>>) target(%arg15 : memref<128x128xf32, #tpu.memory_space<vmem>>) offsets(%arg9 : memref<128xi32, #tpu.memory_space<vmem>>) semaphore(%arg21 : memref<!tpu.dma_semaphore, #tpu.memory_space<semaphore_mem>>)
    %mul3A_53 = arith.constant 1152 : i32
    %mul3A_54 = arith.muli %add3A, %mul3A_53 : i32
    %add3A_55 = arith.constant 256 : i32
    %add3A_56 = arith.addi %mul3A_54, %add3A_55 : i32
    %dma_start3A_57 = tpu.memref_slice %arg4[%add3A_56] : memref<36864xi32, #tpu.memory_space<hbm>> -> memref<128xi32, #tpu.memory_space<hbm>>
    %dma_start3A_58 = tpu.memref_slice %arg4[%add3A_56] : memref<36864xi32, #tpu.memory_space<hbm>> -> memref<128xi32, #tpu.memory_space<hbm>>
    tpu.enqueue_dma source(%dma_start3A_58 : memref<128xi32, #tpu.memory_space<hbm>>) target(%arg10 : memref<128xi32, #tpu.memory_space<vmem>>) target_semaphore(%arg19 : memref<!tpu.dma_semaphore, #tpu.memory_space<semaphore_mem>>)
    %dma_start3A_59 = arith.constant 0 : i32
    %dma_start3A_60 = tpu.memref_slice %arg2[%add3A_56, %dma_start3A_59] : memref<36864x128xf32, #tpu.memory_space<hbm>> -> memref<128x128xf32, #tpu.memory_space<hbm>>
    %dma_start3A_61 = arith.constant 0 : i32
    %dma_start3A_62 = tpu.memref_slice %arg2[%add3A_56, %dma_start3A_61] : memref<36864x128xf32, #tpu.memory_space<hbm>> -> memref<128x128xf32, #tpu.memory_space<hbm>>
    tpu.enqueue_dma source(%dma_start3A_62 : memref<128x128xf32, #tpu.memory_space<hbm>>) target(%arg13 : memref<128x128xf32, #tpu.memory_space<vmem>>) target_semaphore(%arg19 : memref<!tpu.dma_semaphore, #tpu.memory_space<semaphore_mem>>)
    %mul3A_63 = arith.constant 1152 : i32
    %mul3A_64 = arith.muli %add3A, %mul3A_63 : i32
    %add3A_65 = arith.constant 128 : i32
    %add3A_66 = arith.addi %mul3A_64, %add3A_65 : i32
    %dma_wait3A_67 = arith.constant 0 : i32
    %dma_wait3A_68 = arith.constant 0 : i32
    %dma_wait3A_69 = tpu.memref_slice %arg3[%dma_wait3A_67, %dma_wait3A_68] : memref<1024x128xf32, #tpu.memory_space<hbm>> -> memref<1024x128xf32, #tpu.memory_space<hbm>>
    tpu.wait_indirect_dma semaphore(%arg21 : memref<!tpu.dma_semaphore, #tpu.memory_space<semaphore_mem>>) src(%dma_wait3A_69 : memref<1024x128xf32, #tpu.memory_space<hbm>>) dst(%arg15 : memref<128x128xf32, #tpu.memory_space<vmem>>)
    %dma_start3A_70 = arith.constant 0 : i32
    %dma_start3A_71 = tpu.memref_slice %arg6[%add3A_66, %dma_start3A_70] : memref<36864x128xf32, #tpu.memory_space<hbm>> -> memref<128x128xf32, #tpu.memory_space<hbm>>
    %dma_start3A_72 = arith.constant 0 : i32
    %dma_start3A_73 = tpu.memref_slice %arg6[%add3A_66, %dma_start3A_72] : memref<36864x128xf32, #tpu.memory_space<hbm>> -> memref<128x128xf32, #tpu.memory_space<hbm>>
    tpu.enqueue_dma source(%arg15 : memref<128x128xf32, #tpu.memory_space<vmem>>) target(%dma_start3A_73 : memref<128x128xf32, #tpu.memory_space<hbm>>) target_semaphore(%arg23 : memref<!tpu.dma_semaphore, #tpu.memory_space<semaphore_mem>>)
    %dma_start3A_74 = arith.constant 0 : i32
    %dma_start3A_75 = arith.constant 0 : i32
    %dma_start3A_76 = tpu.memref_slice %arg16[%dma_start3A_74, %dma_start3A_75] : memref<1024x128xf32, #tpu.memory_space<vmem_shared>> -> memref<1024x128xf32, #tpu.memory_space<vmem_shared>>
    tpu.enqueue_indirect_dma source(%arg12 : memref<128x128xf32, #tpu.memory_space<vmem>>) target(%dma_start3A_76 : memref<1024x128xf32, #tpu.memory_space<vmem_shared>>) offsets(%arg9 : memref<128xi32, #tpu.memory_space<vmem>>) semaphore(%arg25 : memref<!tpu.dma_semaphore, #tpu.memory_space<semaphore_mem>>) {add = true}
    %dma_wait3A_77 = tpu.memref_slice %arg4[%add3A_56] : memref<36864xi32, #tpu.memory_space<hbm>> -> memref<128xi32, #tpu.memory_space<hbm>>
    %dma_wait3A_78 = tpu.memref_slice %arg4[%add3A_56] : memref<36864xi32, #tpu.memory_space<hbm>> -> memref<128xi32, #tpu.memory_space<hbm>>
    tpu.wait_dma2 semaphore(%arg19 : memref<!tpu.dma_semaphore, #tpu.memory_space<semaphore_mem>>) src(%dma_wait3A_78 : memref<128xi32, #tpu.memory_space<hbm>>) dst(%arg10 : memref<128xi32, #tpu.memory_space<vmem>>)
    %dma_wait3A_79 = arith.constant 0 : i32
    %dma_wait3A_80 = tpu.memref_slice %arg2[%add3A_56, %dma_wait3A_79] : memref<36864x128xf32, #tpu.memory_space<hbm>> -> memref<128x128xf32, #tpu.memory_space<hbm>>
    %dma_wait3A_81 = arith.constant 0 : i32
    %dma_wait3A_82 = tpu.memref_slice %arg2[%add3A_56, %dma_wait3A_81] : memref<36864x128xf32, #tpu.memory_space<hbm>> -> memref<128x128xf32, #tpu.memory_space<hbm>>
    tpu.wait_dma2 semaphore(%arg19 : memref<!tpu.dma_semaphore, #tpu.memory_space<semaphore_mem>>) src(%dma_wait3A_82 : memref<128x128xf32, #tpu.memory_space<hbm>>) dst(%arg13 : memref<128x128xf32, #tpu.memory_space<vmem>>)
    %dma_wait3A_83 = arith.constant 0 : i32
    %dma_wait3A_84 = tpu.memref_slice %arg6[%add3A_33, %dma_wait3A_83] : memref<36864x128xf32, #tpu.memory_space<hbm>> -> memref<128x128xf32, #tpu.memory_space<hbm>>
    %dma_wait3A_85 = arith.constant 0 : i32
    %dma_wait3A_86 = tpu.memref_slice %arg6[%add3A_33, %dma_wait3A_85] : memref<36864x128xf32, #tpu.memory_space<hbm>> -> memref<128x128xf32, #tpu.memory_space<hbm>>
    tpu.wait_dma2 semaphore(%arg22 : memref<!tpu.dma_semaphore, #tpu.memory_space<semaphore_mem>>) src(%arg14 : memref<128x128xf32, #tpu.memory_space<vmem>>) dst(%dma_wait3A_86 : memref<128x128xf32, #tpu.memory_space<hbm>>)
    %dma_start3A_87 = arith.constant 0 : i32
    %dma_start3A_88 = arith.constant 0 : i32
    %dma_start3A_89 = tpu.memref_slice %arg3[%dma_start3A_87, %dma_start3A_88] : memref<1024x128xf32, #tpu.memory_space<hbm>> -> memref<1024x128xf32, #tpu.memory_space<hbm>>
    tpu.enqueue_indirect_dma source(%dma_start3A_89 : memref<1024x128xf32, #tpu.memory_space<hbm>>) target(%arg14 : memref<128x128xf32, #tpu.memory_space<vmem>>) offsets(%arg10 : memref<128xi32, #tpu.memory_space<vmem>>) semaphore(%arg20 : memref<!tpu.dma_semaphore, #tpu.memory_space<semaphore_mem>>)
    %dma_wait3A_90 = arith.constant 0 : i32
    %dma_wait3A_91 = arith.constant 0 : i32
    %dma_wait3A_92 = tpu.memref_slice %arg16[%dma_wait3A_90, %dma_wait3A_91] : memref<1024x128xf32, #tpu.memory_space<vmem_shared>> -> memref<1024x128xf32, #tpu.memory_space<vmem_shared>>
    tpu.wait_indirect_dma semaphore(%arg24 : memref<!tpu.dma_semaphore, #tpu.memory_space<semaphore_mem>>) src(%arg11 : memref<128x128xf32, #tpu.memory_space<vmem>>) dst(%dma_wait3A_92 : memref<1024x128xf32, #tpu.memory_space<vmem_shared>>)
    %mul3A_93 = arith.constant 1152 : i32
    %mul3A_94 = arith.muli %add3A, %mul3A_93 : i32
    %add3A_95 = arith.constant 384 : i32
    %add3A_96 = arith.addi %mul3A_94, %add3A_95 : i32
    %dma_start3A_97 = tpu.memref_slice %arg4[%add3A_96] : memref<36864xi32, #tpu.memory_space<hbm>> -> memref<128xi32, #tpu.memory_space<hbm>>
    %dma_start3A_98 = tpu.memref_slice %arg4[%add3A_96] : memref<36864xi32, #tpu.memory_space<hbm>> -> memref<128xi32, #tpu.memory_space<hbm>>
    tpu.enqueue_dma source(%dma_start3A_98 : memref<128xi32, #tpu.memory_space<hbm>>) target(%arg8 : memref<128xi32, #tpu.memory_space<vmem>>) target_semaphore(%arg17 : memref<!tpu.dma_semaphore, #tpu.memory_space<semaphore_mem>>)
    %dma_start3A_99 = arith.constant 0 : i32
    %dma_start3A_100 = tpu.memref_slice %arg2[%add3A_96, %dma_start3A_99] : memref<36864x128xf32, #tpu.memory_space<hbm>> -> memref<128x128xf32, #tpu.memory_space<hbm>>
    %dma_start3A_101 = arith.constant 0 : i32
    %dma_start3A_102 = tpu.memref_slice %arg2[%add3A_96, %dma_start3A_101] : memref<36864x128xf32, #tpu.memory_space<hbm>> -> memref<128x128xf32, #tpu.memory_space<hbm>>
    tpu.enqueue_dma source(%dma_start3A_102 : memref<128x128xf32, #tpu.memory_space<hbm>>) target(%arg11 : memref<128x128xf32, #tpu.memory_space<vmem>>) target_semaphore(%arg17 : memref<!tpu.dma_semaphore, #tpu.memory_space<semaphore_mem>>)
    %mul3A_103 = arith.constant 1152 : i32
    %mul3A_104 = arith.muli %add3A, %mul3A_103 : i32
    %add3A_105 = arith.constant 256 : i32
    %add3A_106 = arith.addi %mul3A_104, %add3A_105 : i32
    %dma_wait3A_107 = arith.constant 0 : i32
    %dma_wait3A_108 = arith.constant 0 : i32
    %dma_wait3A_109 = tpu.memref_slice %arg3[%dma_wait3A_107, %dma_wait3A_108] : memref<1024x128xf32, #tpu.memory_space<hbm>> -> memref<1024x128xf32, #tpu.memory_space<hbm>>
    tpu.wait_indirect_dma semaphore(%arg20 : memref<!tpu.dma_semaphore, #tpu.memory_space<semaphore_mem>>) src(%dma_wait3A_109 : memref<1024x128xf32, #tpu.memory_space<hbm>>) dst(%arg14 : memref<128x128xf32, #tpu.memory_space<vmem>>)
    %dma_start3A_110 = arith.constant 0 : i32
    %dma_start3A_111 = tpu.memref_slice %arg6[%add3A_106, %dma_start3A_110] : memref<36864x128xf32, #tpu.memory_space<hbm>> -> memref<128x128xf32, #tpu.memory_space<hbm>>
    %dma_start3A_112 = arith.constant 0 : i32
    %dma_start3A_113 = tpu.memref_slice %arg6[%add3A_106, %dma_start3A_112] : memref<36864x128xf32, #tpu.memory_space<hbm>> -> memref<128x128xf32, #tpu.memory_space<hbm>>
    tpu.enqueue_dma source(%arg14 : memref<128x128xf32, #tpu.memory_space<vmem>>) target(%dma_start3A_113 : memref<128x128xf32, #tpu.memory_space<hbm>>) target_semaphore(%arg22 : memref<!tpu.dma_semaphore, #tpu.memory_space<semaphore_mem>>)
    %dma_start3A_114 = arith.constant 0 : i32
    %dma_start3A_115 = arith.constant 0 : i32
    %dma_start3A_116 = tpu.memref_slice %arg16[%dma_start3A_114, %dma_start3A_115] : memref<1024x128xf32, #tpu.memory_space<vmem_shared>> -> memref<1024x128xf32, #tpu.memory_space<vmem_shared>>
    tpu.enqueue_indirect_dma source(%arg13 : memref<128x128xf32, #tpu.memory_space<vmem>>) target(%dma_start3A_116 : memref<1024x128xf32, #tpu.memory_space<vmem_shared>>) offsets(%arg10 : memref<128xi32, #tpu.memory_space<vmem>>) semaphore(%arg26 : memref<!tpu.dma_semaphore, #tpu.memory_space<semaphore_mem>>) {add = true}
    %dma_wait3A_117 = tpu.memref_slice %arg4[%add3A_96] : memref<36864xi32, #tpu.memory_space<hbm>> -> memref<128xi32, #tpu.memory_space<hbm>>
    %dma_wait3A_118 = tpu.memref_slice %arg4[%add3A_96] : memref<36864xi32, #tpu.memory_space<hbm>> -> memref<128xi32, #tpu.memory_space<hbm>>
    tpu.wait_dma2 semaphore(%arg17 : memref<!tpu.dma_semaphore, #tpu.memory_space<semaphore_mem>>) src(%dma_wait3A_118 : memref<128xi32, #tpu.memory_space<hbm>>) dst(%arg8 : memref<128xi32, #tpu.memory_space<vmem>>)
    %dma_wait3A_119 = arith.constant 0 : i32
    %dma_wait3A_120 = tpu.memref_slice %arg2[%add3A_96, %dma_wait3A_119] : memref<36864x128xf32, #tpu.memory_space<hbm>> -> memref<128x128xf32, #tpu.memory_space<hbm>>
    %dma_wait3A_121 = arith.constant 0 : i32
    %dma_wait3A_122 = tpu.memref_slice %arg2[%add3A_96, %dma_wait3A_121] : memref<36864x128xf32, #tpu.memory_space<hbm>> -> memref<128x128xf32, #tpu.memory_space<hbm>>
    tpu.wait_dma2 semaphore(%arg17 : memref<!tpu.dma_semaphore, #tpu.memory_space<semaphore_mem>>) src(%dma_wait3A_122 : memref<128x128xf32, #tpu.memory_space<hbm>>) dst(%arg11 : memref<128x128xf32, #tpu.memory_space<vmem>>)
    %dma_wait3A_123 = arith.constant 0 : i32
    %dma_wait3A_124 = tpu.memref_slice %arg6[%add3A_66, %dma_wait3A_123] : memref<36864x128xf32, #tpu.memory_space<hbm>> -> memref<128x128xf32, #tpu.memory_space<hbm>>
    %dma_wait3A_125 = arith.constant 0 : i32
    %dma_wait3A_126 = tpu.memref_slice %arg6[%add3A_66, %dma_wait3A_125] : memref<36864x128xf32, #tpu.memory_space<hbm>> -> memref<128x128xf32, #tpu.memory_space<hbm>>
    tpu.wait_dma2 semaphore(%arg23 : memref<!tpu.dma_semaphore, #tpu.memory_space<semaphore_mem>>) src(%arg15 : memref<128x128xf32, #tpu.memory_space<vmem>>) dst(%dma_wait3A_126 : memref<128x128xf32, #tpu.memory_space<hbm>>)
    %dma_start3A_127 = arith.constant 0 : i32
    %dma_start3A_128 = arith.constant 0 : i32
    %dma_start3A_129 = tpu.memref_slice %arg3[%dma_start3A_127, %dma_start3A_128] : memref<1024x128xf32, #tpu.memory_space<hbm>> -> memref<1024x128xf32, #tpu.memory_space<hbm>>
    tpu.enqueue_indirect_dma source(%dma_start3A_129 : memref<1024x128xf32, #tpu.memory_space<hbm>>) target(%arg15 : memref<128x128xf32, #tpu.memory_space<vmem>>) offsets(%arg8 : memref<128xi32, #tpu.memory_space<vmem>>) semaphore(%arg21 : memref<!tpu.dma_semaphore, #tpu.memory_space<semaphore_mem>>)
    %dma_wait3A_130 = arith.constant 0 : i32
    %dma_wait3A_131 = arith.constant 0 : i32
    %dma_wait3A_132 = tpu.memref_slice %arg16[%dma_wait3A_130, %dma_wait3A_131] : memref<1024x128xf32, #tpu.memory_space<vmem_shared>> -> memref<1024x128xf32, #tpu.memory_space<vmem_shared>>
    tpu.wait_indirect_dma semaphore(%arg25 : memref<!tpu.dma_semaphore, #tpu.memory_space<semaphore_mem>>) src(%arg12 : memref<128x128xf32, #tpu.memory_space<vmem>>) dst(%dma_wait3A_132 : memref<1024x128xf32, #tpu.memory_space<vmem_shared>>)
    %mul3A_133 = arith.constant 1152 : i32
    %mul3A_134 = arith.muli %add3A, %mul3A_133 : i32
    %add3A_135 = arith.constant 512 : i32
    %add3A_136 = arith.addi %mul3A_134, %add3A_135 : i32
    %dma_start3A_137 = tpu.memref_slice %arg4[%add3A_136] : memref<36864xi32, #tpu.memory_space<hbm>> -> memref<128xi32, #tpu.memory_space<hbm>>
    %dma_start3A_138 = tpu.memref_slice %arg4[%add3A_136] : memref<36864xi32, #tpu.memory_space<hbm>> -> memref<128xi32, #tpu.memory_space<hbm>>
    tpu.enqueue_dma source(%dma_start3A_138 : memref<128xi32, #tpu.memory_space<hbm>>) target(%arg9 : memref<128xi32, #tpu.memory_space<vmem>>) target_semaphore(%arg18 : memref<!tpu.dma_semaphore, #tpu.memory_space<semaphore_mem>>)
    %dma_start3A_139 = arith.constant 0 : i32
    %dma_start3A_140 = tpu.memref_slice %arg2[%add3A_136, %dma_start3A_139] : memref<36864x128xf32, #tpu.memory_space<hbm>> -> memref<128x128xf32, #tpu.memory_space<hbm>>
    %dma_start3A_141 = arith.constant 0 : i32
    %dma_start3A_142 = tpu.memref_slice %arg2[%add3A_136, %dma_start3A_141] : memref<36864x128xf32, #tpu.memory_space<hbm>> -> memref<128x128xf32, #tpu.memory_space<hbm>>
    tpu.enqueue_dma source(%dma_start3A_142 : memref<128x128xf32, #tpu.memory_space<hbm>>) target(%arg12 : memref<128x128xf32, #tpu.memory_space<vmem>>) target_semaphore(%arg18 : memref<!tpu.dma_semaphore, #tpu.memory_space<semaphore_mem>>)
    %mul3A_143 = arith.constant 1152 : i32
    %mul3A_144 = arith.muli %add3A, %mul3A_143 : i32
    %add3A_145 = arith.constant 384 : i32
    %add3A_146 = arith.addi %mul3A_144, %add3A_145 : i32
    %dma_wait3A_147 = arith.constant 0 : i32
    %dma_wait3A_148 = arith.constant 0 : i32
    %dma_wait3A_149 = tpu.memref_slice %arg3[%dma_wait3A_147, %dma_wait3A_148] : memref<1024x128xf32, #tpu.memory_space<hbm>> -> memref<1024x128xf32, #tpu.memory_space<hbm>>
    tpu.wait_indirect_dma semaphore(%arg21 : memref<!tpu.dma_semaphore, #tpu.memory_space<semaphore_mem>>) src(%dma_wait3A_149 : memref<1024x128xf32, #tpu.memory_space<hbm>>) dst(%arg15 : memref<128x128xf32, #tpu.memory_space<vmem>>)
    %dma_start3A_150 = arith.constant 0 : i32
    %dma_start3A_151 = tpu.memref_slice %arg6[%add3A_146, %dma_start3A_150] : memref<36864x128xf32, #tpu.memory_space<hbm>> -> memref<128x128xf32, #tpu.memory_space<hbm>>
    %dma_start3A_152 = arith.constant 0 : i32
    %dma_start3A_153 = tpu.memref_slice %arg6[%add3A_146, %dma_start3A_152] : memref<36864x128xf32, #tpu.memory_space<hbm>> -> memref<128x128xf32, #tpu.memory_space<hbm>>
    tpu.enqueue_dma source(%arg15 : memref<128x128xf32, #tpu.memory_space<vmem>>) target(%dma_start3A_153 : memref<128x128xf32, #tpu.memory_space<hbm>>) target_semaphore(%arg23 : memref<!tpu.dma_semaphore, #tpu.memory_space<semaphore_mem>>)
    %dma_start3A_154 = arith.constant 0 : i32
    %dma_start3A_155 = arith.constant 0 : i32
    %dma_start3A_156 = tpu.memref_slice %arg16[%dma_start3A_154, %dma_start3A_155] : memref<1024x128xf32, #tpu.memory_space<vmem_shared>> -> memref<1024x128xf32, #tpu.memory_space<vmem_shared>>
    tpu.enqueue_indirect_dma source(%arg11 : memref<128x128xf32, #tpu.memory_space<vmem>>) target(%dma_start3A_156 : memref<1024x128xf32, #tpu.memory_space<vmem_shared>>) offsets(%arg8 : memref<128xi32, #tpu.memory_space<vmem>>) semaphore(%arg24 : memref<!tpu.dma_semaphore, #tpu.memory_space<semaphore_mem>>) {add = true}
    %dma_wait3A_157 = tpu.memref_slice %arg4[%add3A_136] : memref<36864xi32, #tpu.memory_space<hbm>> -> memref<128xi32, #tpu.memory_space<hbm>>
    %dma_wait3A_158 = tpu.memref_slice %arg4[%add3A_136] : memref<36864xi32, #tpu.memory_space<hbm>> -> memref<128xi32, #tpu.memory_space<hbm>>
    tpu.wait_dma2 semaphore(%arg18 : memref<!tpu.dma_semaphore, #tpu.memory_space<semaphore_mem>>) src(%dma_wait3A_158 : memref<128xi32, #tpu.memory_space<hbm>>) dst(%arg9 : memref<128xi32, #tpu.memory_space<vmem>>)
    %dma_wait3A_159 = arith.constant 0 : i32
    %dma_wait3A_160 = tpu.memref_slice %arg2[%add3A_136, %dma_wait3A_159] : memref<36864x128xf32, #tpu.memory_space<hbm>> -> memref<128x128xf32, #tpu.memory_space<hbm>>
    %dma_wait3A_161 = arith.constant 0 : i32
    %dma_wait3A_162 = tpu.memref_slice %arg2[%add3A_136, %dma_wait3A_161] : memref<36864x128xf32, #tpu.memory_space<hbm>> -> memref<128x128xf32, #tpu.memory_space<hbm>>
    tpu.wait_dma2 semaphore(%arg18 : memref<!tpu.dma_semaphore, #tpu.memory_space<semaphore_mem>>) src(%dma_wait3A_162 : memref<128x128xf32, #tpu.memory_space<hbm>>) dst(%arg12 : memref<128x128xf32, #tpu.memory_space<vmem>>)
    %dma_wait3A_163 = arith.constant 0 : i32
    %dma_wait3A_164 = tpu.memref_slice %arg6[%add3A_106, %dma_wait3A_163] : memref<36864x128xf32, #tpu.memory_space<hbm>> -> memref<128x128xf32, #tpu.memory_space<hbm>>
    %dma_wait3A_165 = arith.constant 0 : i32
    %dma_wait3A_166 = tpu.memref_slice %arg6[%add3A_106, %dma_wait3A_165] : memref<36864x128xf32, #tpu.memory_space<hbm>> -> memref<128x128xf32, #tpu.memory_space<hbm>>
    tpu.wait_dma2 semaphore(%arg22 : memref<!tpu.dma_semaphore, #tpu.memory_space<semaphore_mem>>) src(%arg14 : memref<128x128xf32, #tpu.memory_space<vmem>>) dst(%dma_wait3A_166 : memref<128x128xf32, #tpu.memory_space<hbm>>)
    %dma_start3A_167 = arith.constant 0 : i32
    %dma_start3A_168 = arith.constant 0 : i32
    %dma_start3A_169 = tpu.memref_slice %arg3[%dma_start3A_167, %dma_start3A_168] : memref<1024x128xf32, #tpu.memory_space<hbm>> -> memref<1024x128xf32, #tpu.memory_space<hbm>>
    tpu.enqueue_indirect_dma source(%dma_start3A_169 : memref<1024x128xf32, #tpu.memory_space<hbm>>) target(%arg14 : memref<128x128xf32, #tpu.memory_space<vmem>>) offsets(%arg9 : memref<128xi32, #tpu.memory_space<vmem>>) semaphore(%arg20 : memref<!tpu.dma_semaphore, #tpu.memory_space<semaphore_mem>>)
    %dma_wait3A_170 = arith.constant 0 : i32
    %dma_wait3A_171 = arith.constant 0 : i32
    %dma_wait3A_172 = tpu.memref_slice %arg16[%dma_wait3A_170, %dma_wait3A_171] : memref<1024x128xf32, #tpu.memory_space<vmem_shared>> -> memref<1024x128xf32, #tpu.memory_space<vmem_shared>>
    tpu.wait_indirect_dma semaphore(%arg26 : memref<!tpu.dma_semaphore, #tpu.memory_space<semaphore_mem>>) src(%arg13 : memref<128x128xf32, #tpu.memory_space<vmem>>) dst(%dma_wait3A_172 : memref<1024x128xf32, #tpu.memory_space<vmem_shared>>)
    %mul3A_173 = arith.constant 1152 : i32
    %mul3A_174 = arith.muli %add3A, %mul3A_173 : i32
    %add3A_175 = arith.constant 640 : i32
    %add3A_176 = arith.addi %mul3A_174, %add3A_175 : i32
    %dma_start3A_177 = tpu.memref_slice %arg4[%add3A_176] : memref<36864xi32, #tpu.memory_space<hbm>> -> memref<128xi32, #tpu.memory_space<hbm>>
    %dma_start3A_178 = tpu.memref_slice %arg4[%add3A_176] : memref<36864xi32, #tpu.memory_space<hbm>> -> memref<128xi32, #tpu.memory_space<hbm>>
    tpu.enqueue_dma source(%dma_start3A_178 : memref<128xi32, #tpu.memory_space<hbm>>) target(%arg10 : memref<128xi32, #tpu.memory_space<vmem>>) target_semaphore(%arg19 : memref<!tpu.dma_semaphore, #tpu.memory_space<semaphore_mem>>)
    %dma_start3A_179 = arith.constant 0 : i32
    %dma_start3A_180 = tpu.memref_slice %arg2[%add3A_176, %dma_start3A_179] : memref<36864x128xf32, #tpu.memory_space<hbm>> -> memref<128x128xf32, #tpu.memory_space<hbm>>
    %dma_start3A_181 = arith.constant 0 : i32
    %dma_start3A_182 = tpu.memref_slice %arg2[%add3A_176, %dma_start3A_181] : memref<36864x128xf32, #tpu.memory_space<hbm>> -> memref<128x128xf32, #tpu.memory_space<hbm>>
    tpu.enqueue_dma source(%dma_start3A_182 : memref<128x128xf32, #tpu.memory_space<hbm>>) target(%arg13 : memref<128x128xf32, #tpu.memory_space<vmem>>) target_semaphore(%arg19 : memref<!tpu.dma_semaphore, #tpu.memory_space<semaphore_mem>>)
    %mul3A_183 = arith.constant 1152 : i32
    %mul3A_184 = arith.muli %add3A, %mul3A_183 : i32
    %add3A_185 = arith.constant 512 : i32
    %add3A_186 = arith.addi %mul3A_184, %add3A_185 : i32
    %dma_wait3A_187 = arith.constant 0 : i32
    %dma_wait3A_188 = arith.constant 0 : i32
    %dma_wait3A_189 = tpu.memref_slice %arg3[%dma_wait3A_187, %dma_wait3A_188] : memref<1024x128xf32, #tpu.memory_space<hbm>> -> memref<1024x128xf32, #tpu.memory_space<hbm>>
    tpu.wait_indirect_dma semaphore(%arg20 : memref<!tpu.dma_semaphore, #tpu.memory_space<semaphore_mem>>) src(%dma_wait3A_189 : memref<1024x128xf32, #tpu.memory_space<hbm>>) dst(%arg14 : memref<128x128xf32, #tpu.memory_space<vmem>>)
    %dma_start3A_190 = arith.constant 0 : i32
    %dma_start3A_191 = tpu.memref_slice %arg6[%add3A_186, %dma_start3A_190] : memref<36864x128xf32, #tpu.memory_space<hbm>> -> memref<128x128xf32, #tpu.memory_space<hbm>>
    %dma_start3A_192 = arith.constant 0 : i32
    %dma_start3A_193 = tpu.memref_slice %arg6[%add3A_186, %dma_start3A_192] : memref<36864x128xf32, #tpu.memory_space<hbm>> -> memref<128x128xf32, #tpu.memory_space<hbm>>
    tpu.enqueue_dma source(%arg14 : memref<128x128xf32, #tpu.memory_space<vmem>>) target(%dma_start3A_193 : memref<128x128xf32, #tpu.memory_space<hbm>>) target_semaphore(%arg22 : memref<!tpu.dma_semaphore, #tpu.memory_space<semaphore_mem>>)
    %dma_start3A_194 = arith.constant 0 : i32
    %dma_start3A_195 = arith.constant 0 : i32
    %dma_start3A_196 = tpu.memref_slice %arg16[%dma_start3A_194, %dma_start3A_195] : memref<1024x128xf32, #tpu.memory_space<vmem_shared>> -> memref<1024x128xf32, #tpu.memory_space<vmem_shared>>
    tpu.enqueue_indirect_dma source(%arg12 : memref<128x128xf32, #tpu.memory_space<vmem>>) target(%dma_start3A_196 : memref<1024x128xf32, #tpu.memory_space<vmem_shared>>) offsets(%arg9 : memref<128xi32, #tpu.memory_space<vmem>>) semaphore(%arg25 : memref<!tpu.dma_semaphore, #tpu.memory_space<semaphore_mem>>) {add = true}
    %dma_wait3A_197 = tpu.memref_slice %arg4[%add3A_176] : memref<36864xi32, #tpu.memory_space<hbm>> -> memref<128xi32, #tpu.memory_space<hbm>>
    %dma_wait3A_198 = tpu.memref_slice %arg4[%add3A_176] : memref<36864xi32, #tpu.memory_space<hbm>> -> memref<128xi32, #tpu.memory_space<hbm>>
    tpu.wait_dma2 semaphore(%arg19 : memref<!tpu.dma_semaphore, #tpu.memory_space<semaphore_mem>>) src(%dma_wait3A_198 : memref<128xi32, #tpu.memory_space<hbm>>) dst(%arg10 : memref<128xi32, #tpu.memory_space<vmem>>)
    %dma_wait3A_199 = arith.constant 0 : i32
    %dma_wait3A_200 = tpu.memref_slice %arg2[%add3A_176, %dma_wait3A_199] : memref<36864x128xf32, #tpu.memory_space<hbm>> -> memref<128x128xf32, #tpu.memory_space<hbm>>
    %dma_wait3A_201 = arith.constant 0 : i32
    %dma_wait3A_202 = tpu.memref_slice %arg2[%add3A_176, %dma_wait3A_201] : memref<36864x128xf32, #tpu.memory_space<hbm>> -> memref<128x128xf32, #tpu.memory_space<hbm>>
    tpu.wait_dma2 semaphore(%arg19 : memref<!tpu.dma_semaphore, #tpu.memory_space<semaphore_mem>>) src(%dma_wait3A_202 : memref<128x128xf32, #tpu.memory_space<hbm>>) dst(%arg13 : memref<128x128xf32, #tpu.memory_space<vmem>>)
    %dma_wait3A_203 = arith.constant 0 : i32
    %dma_wait3A_204 = tpu.memref_slice %arg6[%add3A_146, %dma_wait3A_203] : memref<36864x128xf32, #tpu.memory_space<hbm>> -> memref<128x128xf32, #tpu.memory_space<hbm>>
    %dma_wait3A_205 = arith.constant 0 : i32
    %dma_wait3A_206 = tpu.memref_slice %arg6[%add3A_146, %dma_wait3A_205] : memref<36864x128xf32, #tpu.memory_space<hbm>> -> memref<128x128xf32, #tpu.memory_space<hbm>>
    tpu.wait_dma2 semaphore(%arg23 : memref<!tpu.dma_semaphore, #tpu.memory_space<semaphore_mem>>) src(%arg15 : memref<128x128xf32, #tpu.memory_space<vmem>>) dst(%dma_wait3A_206 : memref<128x128xf32, #tpu.memory_space<hbm>>)
    %dma_start3A_207 = arith.constant 0 : i32
    %dma_start3A_208 = arith.constant 0 : i32
    %dma_start3A_209 = tpu.memref_slice %arg3[%dma_start3A_207, %dma_start3A_208] : memref<1024x128xf32, #tpu.memory_space<hbm>> -> memref<1024x128xf32, #tpu.memory_space<hbm>>
    tpu.enqueue_indirect_dma source(%dma_start3A_209 : memref<1024x128xf32, #tpu.memory_space<hbm>>) target(%arg15 : memref<128x128xf32, #tpu.memory_space<vmem>>) offsets(%arg10 : memref<128xi32, #tpu.memory_space<vmem>>) semaphore(%arg21 : memref<!tpu.dma_semaphore, #tpu.memory_space<semaphore_mem>>)
    %dma_wait3A_210 = arith.constant 0 : i32
    %dma_wait3A_211 = arith.constant 0 : i32
    %dma_wait3A_212 = tpu.memref_slice %arg16[%dma_wait3A_210, %dma_wait3A_211] : memref<1024x128xf32, #tpu.memory_space<vmem_shared>> -> memref<1024x128xf32, #tpu.memory_space<vmem_shared>>
    tpu.wait_indirect_dma semaphore(%arg24 : memref<!tpu.dma_semaphore, #tpu.memory_space<semaphore_mem>>) src(%arg11 : memref<128x128xf32, #tpu.memory_space<vmem>>) dst(%dma_wait3A_212 : memref<1024x128xf32, #tpu.memory_space<vmem_shared>>)
    %mul3A_213 = arith.constant 1152 : i32
    %mul3A_214 = arith.muli %add3A, %mul3A_213 : i32
    %add3A_215 = arith.constant 768 : i32
    %add3A_216 = arith.addi %mul3A_214, %add3A_215 : i32
    %dma_start3A_217 = tpu.memref_slice %arg4[%add3A_216] : memref<36864xi32, #tpu.memory_space<hbm>> -> memref<128xi32, #tpu.memory_space<hbm>>
    %dma_start3A_218 = tpu.memref_slice %arg4[%add3A_216] : memref<36864xi32, #tpu.memory_space<hbm>> -> memref<128xi32, #tpu.memory_space<hbm>>
    tpu.enqueue_dma source(%dma_start3A_218 : memref<128xi32, #tpu.memory_space<hbm>>) target(%arg8 : memref<128xi32, #tpu.memory_space<vmem>>) target_semaphore(%arg17 : memref<!tpu.dma_semaphore, #tpu.memory_space<semaphore_mem>>)
    %dma_start3A_219 = arith.constant 0 : i32
    %dma_start3A_220 = tpu.memref_slice %arg2[%add3A_216, %dma_start3A_219] : memref<36864x128xf32, #tpu.memory_space<hbm>> -> memref<128x128xf32, #tpu.memory_space<hbm>>
    %dma_start3A_221 = arith.constant 0 : i32
    %dma_start3A_222 = tpu.memref_slice %arg2[%add3A_216, %dma_start3A_221] : memref<36864x128xf32, #tpu.memory_space<hbm>> -> memref<128x128xf32, #tpu.memory_space<hbm>>
    tpu.enqueue_dma source(%dma_start3A_222 : memref<128x128xf32, #tpu.memory_space<hbm>>) target(%arg11 : memref<128x128xf32, #tpu.memory_space<vmem>>) target_semaphore(%arg17 : memref<!tpu.dma_semaphore, #tpu.memory_space<semaphore_mem>>)
    %mul3A_223 = arith.constant 1152 : i32
    %mul3A_224 = arith.muli %add3A, %mul3A_223 : i32
    %add3A_225 = arith.constant 640 : i32
    %add3A_226 = arith.addi %mul3A_224, %add3A_225 : i32
    %dma_wait3A_227 = arith.constant 0 : i32
    %dma_wait3A_228 = arith.constant 0 : i32
    %dma_wait3A_229 = tpu.memref_slice %arg3[%dma_wait3A_227, %dma_wait3A_228] : memref<1024x128xf32, #tpu.memory_space<hbm>> -> memref<1024x128xf32, #tpu.memory_space<hbm>>
    tpu.wait_indirect_dma semaphore(%arg21 : memref<!tpu.dma_semaphore, #tpu.memory_space<semaphore_mem>>) src(%dma_wait3A_229 : memref<1024x128xf32, #tpu.memory_space<hbm>>) dst(%arg15 : memref<128x128xf32, #tpu.memory_space<vmem>>)
    %dma_start3A_230 = arith.constant 0 : i32
    %dma_start3A_231 = tpu.memref_slice %arg6[%add3A_226, %dma_start3A_230] : memref<36864x128xf32, #tpu.memory_space<hbm>> -> memref<128x128xf32, #tpu.memory_space<hbm>>
    %dma_start3A_232 = arith.constant 0 : i32
    %dma_start3A_233 = tpu.memref_slice %arg6[%add3A_226, %dma_start3A_232] : memref<36864x128xf32, #tpu.memory_space<hbm>> -> memref<128x128xf32, #tpu.memory_space<hbm>>
    tpu.enqueue_dma source(%arg15 : memref<128x128xf32, #tpu.memory_space<vmem>>) target(%dma_start3A_233 : memref<128x128xf32, #tpu.memory_space<hbm>>) target_semaphore(%arg23 : memref<!tpu.dma_semaphore, #tpu.memory_space<semaphore_mem>>)
    %dma_start3A_234 = arith.constant 0 : i32
    %dma_start3A_235 = arith.constant 0 : i32
    %dma_start3A_236 = tpu.memref_slice %arg16[%dma_start3A_234, %dma_start3A_235] : memref<1024x128xf32, #tpu.memory_space<vmem_shared>> -> memref<1024x128xf32, #tpu.memory_space<vmem_shared>>
    tpu.enqueue_indirect_dma source(%arg13 : memref<128x128xf32, #tpu.memory_space<vmem>>) target(%dma_start3A_236 : memref<1024x128xf32, #tpu.memory_space<vmem_shared>>) offsets(%arg10 : memref<128xi32, #tpu.memory_space<vmem>>) semaphore(%arg26 : memref<!tpu.dma_semaphore, #tpu.memory_space<semaphore_mem>>) {add = true}
    %dma_wait3A_237 = tpu.memref_slice %arg4[%add3A_216] : memref<36864xi32, #tpu.memory_space<hbm>> -> memref<128xi32, #tpu.memory_space<hbm>>
    %dma_wait3A_238 = tpu.memref_slice %arg4[%add3A_216] : memref<36864xi32, #tpu.memory_space<hbm>> -> memref<128xi32, #tpu.memory_space<hbm>>
    tpu.wait_dma2 semaphore(%arg17 : memref<!tpu.dma_semaphore, #tpu.memory_space<semaphore_mem>>) src(%dma_wait3A_238 : memref<128xi32, #tpu.memory_space<hbm>>) dst(%arg8 : memref<128xi32, #tpu.memory_space<vmem>>)
    %dma_wait3A_239 = arith.constant 0 : i32
    %dma_wait3A_240 = tpu.memref_slice %arg2[%add3A_216, %dma_wait3A_239] : memref<36864x128xf32, #tpu.memory_space<hbm>> -> memref<128x128xf32, #tpu.memory_space<hbm>>
    %dma_wait3A_241 = arith.constant 0 : i32
    %dma_wait3A_242 = tpu.memref_slice %arg2[%add3A_216, %dma_wait3A_241] : memref<36864x128xf32, #tpu.memory_space<hbm>> -> memref<128x128xf32, #tpu.memory_space<hbm>>
    tpu.wait_dma2 semaphore(%arg17 : memref<!tpu.dma_semaphore, #tpu.memory_space<semaphore_mem>>) src(%dma_wait3A_242 : memref<128x128xf32, #tpu.memory_space<hbm>>) dst(%arg11 : memref<128x128xf32, #tpu.memory_space<vmem>>)
    %dma_wait3A_243 = arith.constant 0 : i32
    %dma_wait3A_244 = tpu.memref_slice %arg6[%add3A_186, %dma_wait3A_243] : memref<36864x128xf32, #tpu.memory_space<hbm>> -> memref<128x128xf32, #tpu.memory_space<hbm>>
    %dma_wait3A_245 = arith.constant 0 : i32
    %dma_wait3A_246 = tpu.memref_slice %arg6[%add3A_186, %dma_wait3A_245] : memref<36864x128xf32, #tpu.memory_space<hbm>> -> memref<128x128xf32, #tpu.memory_space<hbm>>
    tpu.wait_dma2 semaphore(%arg22 : memref<!tpu.dma_semaphore, #tpu.memory_space<semaphore_mem>>) src(%arg14 : memref<128x128xf32, #tpu.memory_space<vmem>>) dst(%dma_wait3A_246 : memref<128x128xf32, #tpu.memory_space<hbm>>)
    %dma_start3A_247 = arith.constant 0 : i32
    %dma_start3A_248 = arith.constant 0 : i32
    %dma_start3A_249 = tpu.memref_slice %arg3[%dma_start3A_247, %dma_start3A_248] : memref<1024x128xf32, #tpu.memory_space<hbm>> -> memref<1024x128xf32, #tpu.memory_space<hbm>>
    tpu.enqueue_indirect_dma source(%dma_start3A_249 : memref<1024x128xf32, #tpu.memory_space<hbm>>) target(%arg14 : memref<128x128xf32, #tpu.memory_space<vmem>>) offsets(%arg8 : memref<128xi32, #tpu.memory_space<vmem>>) semaphore(%arg20 : memref<!tpu.dma_semaphore, #tpu.memory_space<semaphore_mem>>)
    %dma_wait3A_250 = arith.constant 0 : i32
    %dma_wait3A_251 = arith.constant 0 : i32
    %dma_wait3A_252 = tpu.memref_slice %arg16[%dma_wait3A_250, %dma_wait3A_251] : memref<1024x128xf32, #tpu.memory_space<vmem_shared>> -> memref<1024x128xf32, #tpu.memory_space<vmem_shared>>
    tpu.wait_indirect_dma semaphore(%arg25 : memref<!tpu.dma_semaphore, #tpu.memory_space<semaphore_mem>>) src(%arg12 : memref<128x128xf32, #tpu.memory_space<vmem>>) dst(%dma_wait3A_252 : memref<1024x128xf32, #tpu.memory_space<vmem_shared>>)
    %mul3A_253 = arith.constant 1152 : i32
    %mul3A_254 = arith.muli %add3A, %mul3A_253 : i32
    %add3A_255 = arith.constant 896 : i32
    %add3A_256 = arith.addi %mul3A_254, %add3A_255 : i32
    %dma_start3A_257 = tpu.memref_slice %arg4[%add3A_256] : memref<36864xi32, #tpu.memory_space<hbm>> -> memref<128xi32, #tpu.memory_space<hbm>>
    %dma_start3A_258 = tpu.memref_slice %arg4[%add3A_256] : memref<36864xi32, #tpu.memory_space<hbm>> -> memref<128xi32, #tpu.memory_space<hbm>>
    tpu.enqueue_dma source(%dma_start3A_258 : memref<128xi32, #tpu.memory_space<hbm>>) target(%arg9 : memref<128xi32, #tpu.memory_space<vmem>>) target_semaphore(%arg18 : memref<!tpu.dma_semaphore, #tpu.memory_space<semaphore_mem>>)
    %dma_start3A_259 = arith.constant 0 : i32
    %dma_start3A_260 = tpu.memref_slice %arg2[%add3A_256, %dma_start3A_259] : memref<36864x128xf32, #tpu.memory_space<hbm>> -> memref<128x128xf32, #tpu.memory_space<hbm>>
    %dma_start3A_261 = arith.constant 0 : i32
    %dma_start3A_262 = tpu.memref_slice %arg2[%add3A_256, %dma_start3A_261] : memref<36864x128xf32, #tpu.memory_space<hbm>> -> memref<128x128xf32, #tpu.memory_space<hbm>>
    tpu.enqueue_dma source(%dma_start3A_262 : memref<128x128xf32, #tpu.memory_space<hbm>>) target(%arg12 : memref<128x128xf32, #tpu.memory_space<vmem>>) target_semaphore(%arg18 : memref<!tpu.dma_semaphore, #tpu.memory_space<semaphore_mem>>)
    %mul3A_263 = arith.constant 1152 : i32
    %mul3A_264 = arith.muli %add3A, %mul3A_263 : i32
    %add3A_265 = arith.constant 768 : i32
    %add3A_266 = arith.addi %mul3A_264, %add3A_265 : i32
    %dma_wait3A_267 = arith.constant 0 : i32
    %dma_wait3A_268 = arith.constant 0 : i32
    %dma_wait3A_269 = tpu.memref_slice %arg3[%dma_wait3A_267, %dma_wait3A_268] : memref<1024x128xf32, #tpu.memory_space<hbm>> -> memref<1024x128xf32, #tpu.memory_space<hbm>>
    tpu.wait_indirect_dma semaphore(%arg20 : memref<!tpu.dma_semaphore, #tpu.memory_space<semaphore_mem>>) src(%dma_wait3A_269 : memref<1024x128xf32, #tpu.memory_space<hbm>>) dst(%arg14 : memref<128x128xf32, #tpu.memory_space<vmem>>)
    %dma_start3A_270 = arith.constant 0 : i32
    %dma_start3A_271 = tpu.memref_slice %arg6[%add3A_266, %dma_start3A_270] : memref<36864x128xf32, #tpu.memory_space<hbm>> -> memref<128x128xf32, #tpu.memory_space<hbm>>
    %dma_start3A_272 = arith.constant 0 : i32
    %dma_start3A_273 = tpu.memref_slice %arg6[%add3A_266, %dma_start3A_272] : memref<36864x128xf32, #tpu.memory_space<hbm>> -> memref<128x128xf32, #tpu.memory_space<hbm>>
    tpu.enqueue_dma source(%arg14 : memref<128x128xf32, #tpu.memory_space<vmem>>) target(%dma_start3A_273 : memref<128x128xf32, #tpu.memory_space<hbm>>) target_semaphore(%arg22 : memref<!tpu.dma_semaphore, #tpu.memory_space<semaphore_mem>>)
    %dma_start3A_274 = arith.constant 0 : i32
    %dma_start3A_275 = arith.constant 0 : i32
    %dma_start3A_276 = tpu.memref_slice %arg16[%dma_start3A_274, %dma_start3A_275] : memref<1024x128xf32, #tpu.memory_space<vmem_shared>> -> memref<1024x128xf32, #tpu.memory_space<vmem_shared>>
    tpu.enqueue_indirect_dma source(%arg11 : memref<128x128xf32, #tpu.memory_space<vmem>>) target(%dma_start3A_276 : memref<1024x128xf32, #tpu.memory_space<vmem_shared>>) offsets(%arg8 : memref<128xi32, #tpu.memory_space<vmem>>) semaphore(%arg24 : memref<!tpu.dma_semaphore, #tpu.memory_space<semaphore_mem>>) {add = true}
    %dma_wait3A_277 = tpu.memref_slice %arg4[%add3A_256] : memref<36864xi32, #tpu.memory_space<hbm>> -> memref<128xi32, #tpu.memory_space<hbm>>
    %dma_wait3A_278 = tpu.memref_slice %arg4[%add3A_256] : memref<36864xi32, #tpu.memory_space<hbm>> -> memref<128xi32, #tpu.memory_space<hbm>>
    tpu.wait_dma2 semaphore(%arg18 : memref<!tpu.dma_semaphore, #tpu.memory_space<semaphore_mem>>) src(%dma_wait3A_278 : memref<128xi32, #tpu.memory_space<hbm>>) dst(%arg9 : memref<128xi32, #tpu.memory_space<vmem>>)
    %dma_wait3A_279 = arith.constant 0 : i32
    %dma_wait3A_280 = tpu.memref_slice %arg2[%add3A_256, %dma_wait3A_279] : memref<36864x128xf32, #tpu.memory_space<hbm>> -> memref<128x128xf32, #tpu.memory_space<hbm>>
    %dma_wait3A_281 = arith.constant 0 : i32
    %dma_wait3A_282 = tpu.memref_slice %arg2[%add3A_256, %dma_wait3A_281] : memref<36864x128xf32, #tpu.memory_space<hbm>> -> memref<128x128xf32, #tpu.memory_space<hbm>>
    tpu.wait_dma2 semaphore(%arg18 : memref<!tpu.dma_semaphore, #tpu.memory_space<semaphore_mem>>) src(%dma_wait3A_282 : memref<128x128xf32, #tpu.memory_space<hbm>>) dst(%arg12 : memref<128x128xf32, #tpu.memory_space<vmem>>)
    %dma_wait3A_283 = arith.constant 0 : i32
    %dma_wait3A_284 = tpu.memref_slice %arg6[%add3A_226, %dma_wait3A_283] : memref<36864x128xf32, #tpu.memory_space<hbm>> -> memref<128x128xf32, #tpu.memory_space<hbm>>
    %dma_wait3A_285 = arith.constant 0 : i32
    %dma_wait3A_286 = tpu.memref_slice %arg6[%add3A_226, %dma_wait3A_285] : memref<36864x128xf32, #tpu.memory_space<hbm>> -> memref<128x128xf32, #tpu.memory_space<hbm>>
    tpu.wait_dma2 semaphore(%arg23 : memref<!tpu.dma_semaphore, #tpu.memory_space<semaphore_mem>>) src(%arg15 : memref<128x128xf32, #tpu.memory_space<vmem>>) dst(%dma_wait3A_286 : memref<128x128xf32, #tpu.memory_space<hbm>>)
    %dma_start3A_287 = arith.constant 0 : i32
    %dma_start3A_288 = arith.constant 0 : i32
    %dma_start3A_289 = tpu.memref_slice %arg3[%dma_start3A_287, %dma_start3A_288] : memref<1024x128xf32, #tpu.memory_space<hbm>> -> memref<1024x128xf32, #tpu.memory_space<hbm>>
    tpu.enqueue_indirect_dma source(%dma_start3A_289 : memref<1024x128xf32, #tpu.memory_space<hbm>>) target(%arg15 : memref<128x128xf32, #tpu.memory_space<vmem>>) offsets(%arg9 : memref<128xi32, #tpu.memory_space<vmem>>) semaphore(%arg21 : memref<!tpu.dma_semaphore, #tpu.memory_space<semaphore_mem>>)
    %dma_wait3A_290 = arith.constant 0 : i32
    %dma_wait3A_291 = arith.constant 0 : i32
    %dma_wait3A_292 = tpu.memref_slice %arg16[%dma_wait3A_290, %dma_wait3A_291] : memref<1024x128xf32, #tpu.memory_space<vmem_shared>> -> memref<1024x128xf32, #tpu.memory_space<vmem_shared>>
    tpu.wait_indirect_dma semaphore(%arg26 : memref<!tpu.dma_semaphore, #tpu.memory_space<semaphore_mem>>) src(%arg13 : memref<128x128xf32, #tpu.memory_space<vmem>>) dst(%dma_wait3A_292 : memref<1024x128xf32, #tpu.memory_space<vmem_shared>>)
    %mul3A_293 = arith.constant 1152 : i32
    %mul3A_294 = arith.muli %add3A, %mul3A_293 : i32
    %add3A_295 = arith.constant 1024 : i32
    %add3A_296 = arith.addi %mul3A_294, %add3A_295 : i32
    %dma_start3A_297 = tpu.memref_slice %arg4[%add3A_296] : memref<36864xi32, #tpu.memory_space<hbm>> -> memref<128xi32, #tpu.memory_space<hbm>>
    %dma_start3A_298 = tpu.memref_slice %arg4[%add3A_296] : memref<36864xi32, #tpu.memory_space<hbm>> -> memref<128xi32, #tpu.memory_space<hbm>>
    tpu.enqueue_dma source(%dma_start3A_298 : memref<128xi32, #tpu.memory_space<hbm>>) target(%arg10 : memref<128xi32, #tpu.memory_space<vmem>>) target_semaphore(%arg19 : memref<!tpu.dma_semaphore, #tpu.memory_space<semaphore_mem>>)
    %dma_start3A_299 = arith.constant 0 : i32
    %dma_start3A_300 = tpu.memref_slice %arg2[%add3A_296, %dma_start3A_299] : memref<36864x128xf32, #tpu.memory_space<hbm>> -> memref<128x128xf32, #tpu.memory_space<hbm>>
    %dma_start3A_301 = arith.constant 0 : i32
    %dma_start3A_302 = tpu.memref_slice %arg2[%add3A_296, %dma_start3A_301] : memref<36864x128xf32, #tpu.memory_space<hbm>> -> memref<128x128xf32, #tpu.memory_space<hbm>>
    tpu.enqueue_dma source(%dma_start3A_302 : memref<128x128xf32, #tpu.memory_space<hbm>>) target(%arg13 : memref<128x128xf32, #tpu.memory_space<vmem>>) target_semaphore(%arg19 : memref<!tpu.dma_semaphore, #tpu.memory_space<semaphore_mem>>)
    %mul3A_303 = arith.constant 1152 : i32
    %mul3A_304 = arith.muli %add3A, %mul3A_303 : i32
    %add3A_305 = arith.constant 896 : i32
    %add3A_306 = arith.addi %mul3A_304, %add3A_305 : i32
    %dma_wait3A_307 = arith.constant 0 : i32
    %dma_wait3A_308 = arith.constant 0 : i32
    %dma_wait3A_309 = tpu.memref_slice %arg3[%dma_wait3A_307, %dma_wait3A_308] : memref<1024x128xf32, #tpu.memory_space<hbm>> -> memref<1024x128xf32, #tpu.memory_space<hbm>>
    tpu.wait_indirect_dma semaphore(%arg21 : memref<!tpu.dma_semaphore, #tpu.memory_space<semaphore_mem>>) src(%dma_wait3A_309 : memref<1024x128xf32, #tpu.memory_space<hbm>>) dst(%arg15 : memref<128x128xf32, #tpu.memory_space<vmem>>)
    %dma_start3A_310 = arith.constant 0 : i32
    %dma_start3A_311 = tpu.memref_slice %arg6[%add3A_306, %dma_start3A_310] : memref<36864x128xf32, #tpu.memory_space<hbm>> -> memref<128x128xf32, #tpu.memory_space<hbm>>
    %dma_start3A_312 = arith.constant 0 : i32
    %dma_start3A_313 = tpu.memref_slice %arg6[%add3A_306, %dma_start3A_312] : memref<36864x128xf32, #tpu.memory_space<hbm>> -> memref<128x128xf32, #tpu.memory_space<hbm>>
    tpu.enqueue_dma source(%arg15 : memref<128x128xf32, #tpu.memory_space<vmem>>) target(%dma_start3A_313 : memref<128x128xf32, #tpu.memory_space<hbm>>) target_semaphore(%arg23 : memref<!tpu.dma_semaphore, #tpu.memory_space<semaphore_mem>>)
    %dma_start3A_314 = arith.constant 0 : i32
    %dma_start3A_315 = arith.constant 0 : i32
    %dma_start3A_316 = tpu.memref_slice %arg16[%dma_start3A_314, %dma_start3A_315] : memref<1024x128xf32, #tpu.memory_space<vmem_shared>> -> memref<1024x128xf32, #tpu.memory_space<vmem_shared>>
    tpu.enqueue_indirect_dma source(%arg12 : memref<128x128xf32, #tpu.memory_space<vmem>>) target(%dma_start3A_316 : memref<1024x128xf32, #tpu.memory_space<vmem_shared>>) offsets(%arg9 : memref<128xi32, #tpu.memory_space<vmem>>) semaphore(%arg25 : memref<!tpu.dma_semaphore, #tpu.memory_space<semaphore_mem>>) {add = true}
    %dma_wait3A_317 = tpu.memref_slice %arg4[%add3A_296] : memref<36864xi32, #tpu.memory_space<hbm>> -> memref<128xi32, #tpu.memory_space<hbm>>
    %dma_wait3A_318 = tpu.memref_slice %arg4[%add3A_296] : memref<36864xi32, #tpu.memory_space<hbm>> -> memref<128xi32, #tpu.memory_space<hbm>>
    tpu.wait_dma2 semaphore(%arg19 : memref<!tpu.dma_semaphore, #tpu.memory_space<semaphore_mem>>) src(%dma_wait3A_318 : memref<128xi32, #tpu.memory_space<hbm>>) dst(%arg10 : memref<128xi32, #tpu.memory_space<vmem>>)
    %dma_wait3A_319 = arith.constant 0 : i32
    %dma_wait3A_320 = tpu.memref_slice %arg2[%add3A_296, %dma_wait3A_319] : memref<36864x128xf32, #tpu.memory_space<hbm>> -> memref<128x128xf32, #tpu.memory_space<hbm>>
    %dma_wait3A_321 = arith.constant 0 : i32
    %dma_wait3A_322 = tpu.memref_slice %arg2[%add3A_296, %dma_wait3A_321] : memref<36864x128xf32, #tpu.memory_space<hbm>> -> memref<128x128xf32, #tpu.memory_space<hbm>>
    tpu.wait_dma2 semaphore(%arg19 : memref<!tpu.dma_semaphore, #tpu.memory_space<semaphore_mem>>) src(%dma_wait3A_322 : memref<128x128xf32, #tpu.memory_space<hbm>>) dst(%arg13 : memref<128x128xf32, #tpu.memory_space<vmem>>)
    %dma_wait3A_323 = arith.constant 0 : i32
    %dma_wait3A_324 = tpu.memref_slice %arg6[%add3A_266, %dma_wait3A_323] : memref<36864x128xf32, #tpu.memory_space<hbm>> -> memref<128x128xf32, #tpu.memory_space<hbm>>
    %dma_wait3A_325 = arith.constant 0 : i32
    %dma_wait3A_326 = tpu.memref_slice %arg6[%add3A_266, %dma_wait3A_325] : memref<36864x128xf32, #tpu.memory_space<hbm>> -> memref<128x128xf32, #tpu.memory_space<hbm>>
    tpu.wait_dma2 semaphore(%arg22 : memref<!tpu.dma_semaphore, #tpu.memory_space<semaphore_mem>>) src(%arg14 : memref<128x128xf32, #tpu.memory_space<vmem>>) dst(%dma_wait3A_326 : memref<128x128xf32, #tpu.memory_space<hbm>>)
    %dma_start3A_327 = arith.constant 0 : i32
    %dma_start3A_328 = arith.constant 0 : i32
    %dma_start3A_329 = tpu.memref_slice %arg3[%dma_start3A_327, %dma_start3A_328] : memref<1024x128xf32, #tpu.memory_space<hbm>> -> memref<1024x128xf32, #tpu.memory_space<hbm>>
    tpu.enqueue_indirect_dma source(%dma_start3A_329 : memref<1024x128xf32, #tpu.memory_space<hbm>>) target(%arg14 : memref<128x128xf32, #tpu.memory_space<vmem>>) offsets(%arg10 : memref<128xi32, #tpu.memory_space<vmem>>) semaphore(%arg20 : memref<!tpu.dma_semaphore, #tpu.memory_space<semaphore_mem>>)
    %mul3A_330 = arith.constant 1152 : i32
    %mul3A_331 = arith.muli %add3A, %mul3A_330 : i32
    %add3A_332 = arith.constant 1024 : i32
    %add3A_333 = arith.addi %mul3A_331, %add3A_332 : i32
    %dma_wait3A_334 = arith.constant 0 : i32
    %dma_wait3A_335 = arith.constant 0 : i32
    %dma_wait3A_336 = tpu.memref_slice %arg3[%dma_wait3A_334, %dma_wait3A_335] : memref<1024x128xf32, #tpu.memory_space<hbm>> -> memref<1024x128xf32, #tpu.memory_space<hbm>>
    tpu.wait_indirect_dma semaphore(%arg20 : memref<!tpu.dma_semaphore, #tpu.memory_space<semaphore_mem>>) src(%dma_wait3A_336 : memref<1024x128xf32, #tpu.memory_space<hbm>>) dst(%arg14 : memref<128x128xf32, #tpu.memory_space<vmem>>)
    %dma_start3A_337 = arith.constant 0 : i32
    %dma_start3A_338 = tpu.memref_slice %arg6[%add3A_333, %dma_start3A_337] : memref<36864x128xf32, #tpu.memory_space<hbm>> -> memref<128x128xf32, #tpu.memory_space<hbm>>
    %dma_start3A_339 = arith.constant 0 : i32
    %dma_start3A_340 = tpu.memref_slice %arg6[%add3A_333, %dma_start3A_339] : memref<36864x128xf32, #tpu.memory_space<hbm>> -> memref<128x128xf32, #tpu.memory_space<hbm>>
    tpu.enqueue_dma source(%arg14 : memref<128x128xf32, #tpu.memory_space<vmem>>) target(%dma_start3A_340 : memref<128x128xf32, #tpu.memory_space<hbm>>) target_semaphore(%arg22 : memref<!tpu.dma_semaphore, #tpu.memory_space<semaphore_mem>>)
    %dma_start3A_341 = arith.constant 0 : i32
    %dma_start3A_342 = arith.constant 0 : i32
    %dma_start3A_343 = tpu.memref_slice %arg16[%dma_start3A_341, %dma_start3A_342] : memref<1024x128xf32, #tpu.memory_space<vmem_shared>> -> memref<1024x128xf32, #tpu.memory_space<vmem_shared>>
    tpu.enqueue_indirect_dma source(%arg13 : memref<128x128xf32, #tpu.memory_space<vmem>>) target(%dma_start3A_343 : memref<1024x128xf32, #tpu.memory_space<vmem_shared>>) offsets(%arg10 : memref<128xi32, #tpu.memory_space<vmem>>) semaphore(%arg26 : memref<!tpu.dma_semaphore, #tpu.memory_space<semaphore_mem>>) {add = true}
    %dma_wait3A_344 = arith.constant 0 : i32
    %dma_wait3A_345 = tpu.memref_slice %arg6[%add3A_306, %dma_wait3A_344] : memref<36864x128xf32, #tpu.memory_space<hbm>> -> memref<128x128xf32, #tpu.memory_space<hbm>>
    %dma_wait3A_346 = arith.constant 0 : i32
    %dma_wait3A_347 = tpu.memref_slice %arg6[%add3A_306, %dma_wait3A_346] : memref<36864x128xf32, #tpu.memory_space<hbm>> -> memref<128x128xf32, #tpu.memory_space<hbm>>
    tpu.wait_dma2 semaphore(%arg23 : memref<!tpu.dma_semaphore, #tpu.memory_space<semaphore_mem>>) src(%arg15 : memref<128x128xf32, #tpu.memory_space<vmem>>) dst(%dma_wait3A_347 : memref<128x128xf32, #tpu.memory_space<hbm>>)
    %dma_wait3A_348 = arith.constant 0 : i32
    %dma_wait3A_349 = tpu.memref_slice %arg6[%add3A_333, %dma_wait3A_348] : memref<36864x128xf32, #tpu.memory_space<hbm>> -> memref<128x128xf32, #tpu.memory_space<hbm>>
    %dma_wait3A_350 = arith.constant 0 : i32
    %dma_wait3A_351 = tpu.memref_slice %arg6[%add3A_333, %dma_wait3A_350] : memref<36864x128xf32, #tpu.memory_space<hbm>> -> memref<128x128xf32, #tpu.memory_space<hbm>>
    tpu.wait_dma2 semaphore(%arg22 : memref<!tpu.dma_semaphore, #tpu.memory_space<semaphore_mem>>) src(%arg14 : memref<128x128xf32, #tpu.memory_space<vmem>>) dst(%dma_wait3A_351 : memref<128x128xf32, #tpu.memory_space<hbm>>)
    %dma_wait3A_352 = arith.constant 0 : i32
    %dma_wait3A_353 = arith.constant 0 : i32
    %dma_wait3A_354 = tpu.memref_slice %arg16[%dma_wait3A_352, %dma_wait3A_353] : memref<1024x128xf32, #tpu.memory_space<vmem_shared>> -> memref<1024x128xf32, #tpu.memory_space<vmem_shared>>
    tpu.wait_indirect_dma semaphore(%arg24 : memref<!tpu.dma_semaphore, #tpu.memory_space<semaphore_mem>>) src(%arg11 : memref<128x128xf32, #tpu.memory_space<vmem>>) dst(%dma_wait3A_354 : memref<1024x128xf32, #tpu.memory_space<vmem_shared>>)
    %dma_wait3A_355 = arith.constant 0 : i32
    %dma_wait3A_356 = arith.constant 0 : i32
    %dma_wait3A_357 = tpu.memref_slice %arg16[%dma_wait3A_355, %dma_wait3A_356] : memref<1024x128xf32, #tpu.memory_space<vmem_shared>> -> memref<1024x128xf32, #tpu.memory_space<vmem_shared>>
    tpu.wait_indirect_dma semaphore(%arg25 : memref<!tpu.dma_semaphore, #tpu.memory_space<semaphore_mem>>) src(%arg12 : memref<128x128xf32, #tpu.memory_space<vmem>>) dst(%dma_wait3A_357 : memref<1024x128xf32, #tpu.memory_space<vmem_shared>>)
    %dma_wait3A_358 = arith.constant 0 : i32
    %dma_wait3A_359 = arith.constant 0 : i32
    %dma_wait3A_360 = tpu.memref_slice %arg16[%dma_wait3A_358, %dma_wait3A_359] : memref<1024x128xf32, #tpu.memory_space<vmem_shared>> -> memref<1024x128xf32, #tpu.memory_space<vmem_shared>>
    tpu.wait_indirect_dma semaphore(%arg26 : memref<!tpu.dma_semaphore, #tpu.memory_space<semaphore_mem>>) src(%arg13 : memref<128x128xf32, #tpu.memory_space<vmem>>) dst(%dma_wait3A_360 : memref<1024x128xf32, #tpu.memory_space<vmem_shared>>)
    %barrier3A_361 = arith.constant 0 : index
    tpu.barrier barrier_id(%barrier3A_361)
    %eq3A_362 = arith.constant 0 : i32
    %eq3A_363 = arith.cmpi eq, %arg1, %eq3A_362 : i32
    %convert_element_type3A_364 = arith.extui %eq3A_363 : i1 to i32
    %cond3A_365 = arith.constant 0 : i32
    %cond3A_366 = arith.cmpi ne, %convert_element_type3A_364, %cond3A_365 : i32
    scf.if %cond3A_366 {
      "tpu.region"() ({
        %run_scoped3A = tpu.sem_alloc : memref<!tpu.dma_semaphore, #tpu.memory_space<semaphore_mem>>
        %dma_start3A_367 = arith.constant 0 : i32
        %dma_start3A_368 = arith.constant 0 : i32
        %dma_start3A_369 = tpu.memref_slice %arg7[%arg0, %dma_start3A_367, %dma_start3A_368] : memref<2x1024x128xf32, #tpu.memory_space<hbm>> -> memref<1x1024x128xf32, #tpu.memory_space<hbm>>
        %dma_start3A_370 = tpu.memref_squeeze %dma_start3A_369 : memref<1x1024x128xf32, #tpu.memory_space<hbm>> -> memref<1024x128xf32, #tpu.memory_space<hbm>>
        tpu.enqueue_dma source(%arg16 : memref<1024x128xf32, #tpu.memory_space<vmem_shared>>) target(%dma_start3A_370 : memref<1024x128xf32, #tpu.memory_space<hbm>>) target_semaphore(%run_scoped3A : memref<!tpu.dma_semaphore, #tpu.memory_space<semaphore_mem>>)
        %dma_wait3A_371 = arith.constant 0 : i32
        %dma_wait3A_372 = arith.constant 0 : i32
        %dma_wait3A_373 = tpu.memref_slice %arg7[%arg0, %dma_wait3A_371, %dma_wait3A_372] : memref<2x1024x128xf32, #tpu.memory_space<hbm>> -> memref<1x1024x128xf32, #tpu.memory_space<hbm>>
        %dma_wait3A_374 = tpu.memref_squeeze %dma_wait3A_373 : memref<1x1024x128xf32, #tpu.memory_space<hbm>> -> memref<1024x128xf32, #tpu.memory_space<hbm>>
        tpu.wait_dma2 semaphore(%run_scoped3A : memref<!tpu.dma_semaphore, #tpu.memory_space<semaphore_mem>>) src(%arg16 : memref<1024x128xf32, #tpu.memory_space<vmem_shared>>) dst(%dma_wait3A_374 : memref<1024x128xf32, #tpu.memory_space<hbm>>)
        tpu.yield
      }) : () -> ()
    } else {
    }
    return
  }
}

module attributes {stable_mosaic.version = 14 : i64} {
  func.func @_tc_body(%arg0: i32, %arg1: memref<2048x64xf32, #tpu.memory_space<vmem>>, %arg2: memref<64x1024xf32, #tpu.memory_space<vmem>>, %arg3: memref<2048x1024xf32, #tpu.memory_space<vmem>>, %arg4: memref<2048x1xi32, #tpu.memory_space<vmem>>, %arg5: memref<2048x128xf32, #tpu.memory_space<vmem>>) attributes {dimension_semantics = [#tpu.dimension_semantics<arbitrary>], iteration_bounds = array<i64: 18>, scalar_prefetch = 0 : i64, scratch_operands = 0 : i64, tpu.core_type = #tpu.core_type<tc>, window_params = [{transform_indices = @transform_0, window_bounds = array<i64: 2048, 64>}, {pipeline_mode = #tpu.pipeline_mode<synchronous>, transform_indices = @transform_1, window_bounds = array<i64: 64, 1024>}, {transform_indices = @transform_2, window_bounds = array<i64: 2048, 1024>}, {transform_indices = @transform_3, window_bounds = array<i64: 2048, 1>}, {transform_indices = @transform_4, window_bounds = array<i64: 2048, 128>}]} {
    %get3A = arith.constant 0 : index
    %get3A_0 = arith.constant 0 : index
    %get3A_1 = vector.load %arg1[%get3A, %get3A_0] : memref<2048x64xf32, #tpu.memory_space<vmem>>, vector<2048x64xf32>
    %get3A_2 = arith.constant 0 : index
    %get3A_3 = arith.constant 0 : index
    %get3A_4 = vector.load %arg2[%get3A_2, %get3A_3] : memref<64x1024xf32, #tpu.memory_space<vmem>>, vector<64x1024xf32>
    %mul3A = arith.mulf %get3A_1, %get3A_1 : vector<2048x64xf32>
    %reduce_sum3A = arith.constant dense<0.000000e+00> : vector<2048xf32>
    %reduce_sum3A_5 = vector.multi_reduction <add>, %mul3A, %reduce_sum3A [1] : vector<2048x64xf32> to vector<2048xf32>
    %broadcast_in_dim3A = vector.shape_cast %reduce_sum3A_5 : vector<2048xf32> to vector<2048x1xf32>
    %mul3A_6 = arith.mulf %get3A_4, %get3A_4 : vector<64x1024xf32>
    %reduce_sum3A_7 = arith.constant dense<0.000000e+00> : vector<1024xf32>
    %reduce_sum3A_8 = vector.multi_reduction <add>, %mul3A_6, %reduce_sum3A_7 [0] : vector<64x1024xf32> to vector<1024xf32>
    %broadcast_in_dim3A_9 = vector.shape_cast %reduce_sum3A_8 : vector<1024xf32> to vector<1x1024xf32>
    %dot_general3A = arith.constant dense<0.000000e+00> : vector<2048x1024xf32>
    %dot_general3A_10 = tpu.matmul %get3A_1, %get3A_4, %dot_general3A {dimension_numbers = #tpu.dot_dimension_numbers<[1], [0], [0], [1], [0, 0, 1, 1], [], []>, transpose_lhs_hint = false} : vector<2048x64xf32>, vector<64x1024xf32>, vector<2048x1024xf32> -> vector<2048x1024xf32>
    %mul3A_11 = arith.constant -2.000000e+00 : f32
    %mul3A_12 = vector.broadcast %mul3A_11 : f32 to vector<2048x1024xf32>
    %mul3A_13 = arith.mulf %mul3A_12, %dot_general3A_10 : vector<2048x1024xf32>
    %add3A = vector.broadcast %broadcast_in_dim3A : vector<2048x1xf32> to vector<2048x1024xf32>
    %add3A_14 = arith.addf %add3A, %mul3A_13 : vector<2048x1024xf32>
    %add3A_15 = vector.broadcast %broadcast_in_dim3A_9 : vector<1x1024xf32> to vector<2048x1024xf32>
    %add3A_16 = arith.addf %add3A_14, %add3A_15 : vector<2048x1024xf32>
    %reduce_min3A = arith.constant dense<0x7F800000> : vector<2048xf32>
    %reduce_min3A_17 = vector.multi_reduction <minimumf>, %add3A_16, %reduce_min3A [1] : vector<2048x1024xf32> to vector<2048xf32>
    %broadcast_in_dim3A_18 = vector.shape_cast %reduce_min3A_17 : vector<2048xf32> to vector<2048x1xf32>
    %iota3A = tpu.iota {dimensions = array<i32: 1>} : vector<2048x1024xi32>
    %eq3A = vector.broadcast %broadcast_in_dim3A_18 : vector<2048x1xf32> to vector<2048x1024xf32>
    %eq3A_19 = arith.cmpf oeq, %add3A_16, %eq3A : vector<2048x1024xf32>
    %jit3A = arith.constant 1024 : i32
    %broadcast_in_dim3A_20 = vector.broadcast %jit3A : i32 to vector<2048x1024xi32>
    %select_n3A = arith.select %eq3A_19, %iota3A, %broadcast_in_dim3A_20 : vector<2048x1024xi1>, vector<2048x1024xi32>
    %reduce_min3A_21 = arith.constant dense<2147483647> : vector<2048xi32>
    %reduce_min3A_22 = vector.multi_reduction <minsi>, %select_n3A, %reduce_min3A_21 [1] : vector<2048x1024xi32> to vector<2048xi32>
    %broadcast_in_dim3A_23 = vector.shape_cast %reduce_min3A_22 : vector<2048xi32> to vector<2048x1xi32>
    %swap3A = arith.constant 0 : index
    %swap3A_24 = arith.constant 0 : index
    %swap3A_25 = vector.load %arg4[%swap3A, %swap3A_24] : memref<2048x1xi32, #tpu.memory_space<vmem>>, vector<2048x1xi32>
    tpu.vector_store %arg4[%swap3A, %swap3A_24], %broadcast_in_dim3A_23 {strides = array<i32>} : memref<2048x1xi32, #tpu.memory_space<vmem>>, vector<2048x1xi32>,
    %iota3A_26 = tpu.iota {dimensions = array<i32: 1>} : vector<2048x1024xi32>
    %eq3A_27 = vector.broadcast %broadcast_in_dim3A_23 : vector<2048x1xi32> to vector<2048x1024xi32>
    %eq3A_28 = arith.cmpi eq, %iota3A_26, %eq3A_27 : vector<2048x1024xi32>
    %convert_element_type3A = arith.extui %eq3A_28 : vector<2048x1024xi1> to vector<2048x1024xi32>
    %convert_element_type3A_29 = arith.sitofp %convert_element_type3A : vector<2048x1024xi32> to vector<2048x1024xf32>
    %swap3A_30 = arith.constant 0 : index
    %swap3A_31 = arith.constant 0 : index
    %swap3A_32 = vector.load %arg3[%swap3A_30, %swap3A_31] : memref<2048x1024xf32, #tpu.memory_space<vmem>>, vector<2048x1024xf32>
    tpu.vector_store %arg3[%swap3A_30, %swap3A_31], %convert_element_type3A_29 {strides = array<i32>} : memref<2048x1024xf32, #tpu.memory_space<vmem>>, vector<2048x1024xf32>,
    %broadcast_in_dim3A_33 = arith.constant 1.000000e+00 : f32
    %broadcast_in_dim3A_34 = vector.broadcast %broadcast_in_dim3A_33 : f32 to vector<2048x1xf32>
    %broadcast_in_dim3A_35 = arith.constant 0.000000e+00 : f32
    %broadcast_in_dim3A_36 = vector.broadcast %broadcast_in_dim3A_35 : f32 to vector<2048x63xf32>
    %concatenate3A = tpu.concatenate %get3A_1, %broadcast_in_dim3A_34, %broadcast_in_dim3A_36 in 1 : vector<2048x64xf32>, vector<2048x1xf32>, vector<2048x63xf32> -> vector<2048x128xf32>
    %swap3A_37 = arith.constant 0 : index
    %swap3A_38 = arith.constant 0 : index
    %swap3A_39 = vector.load %arg5[%swap3A_37, %swap3A_38] : memref<2048x128xf32, #tpu.memory_space<vmem>>, vector<2048x128xf32>
    tpu.vector_store %arg5[%swap3A_37, %swap3A_38], %concatenate3A {strides = array<i32>} : memref<2048x128xf32, #tpu.memory_space<vmem>>, vector<2048x128xf32>,
    return
  }
  func.func @transform_0(%arg0: i32) -> (i32, i32) {
    %c0_i32 = arith.constant 0 : i32
    %c0_i32_0 = arith.constant 0 : i32
    return %arg0, %c0_i32 : i32, i32
  }
  func.func @transform_1(%arg0: i32) -> (i32, i32) {
    %c0_i32 = arith.constant 0 : i32
    %c0_i32_0 = arith.constant 0 : i32
    %c0_i32_1 = arith.constant 0 : i32
    return %c0_i32, %c0_i32_0 : i32, i32
  }
  func.func @transform_2(%arg0: i32) -> (i32, i32) {
    %c0_i32 = arith.constant 0 : i32
    %c0_i32_0 = arith.constant 0 : i32
    return %arg0, %c0_i32 : i32, i32
  }
  func.func @transform_3(%arg0: i32) -> (i32, i32) {
    %c0_i32 = arith.constant 0 : i32
    %c0_i32_0 = arith.constant 0 : i32
    return %arg0, %c0_i32 : i32, i32
  }
  func.func @transform_4(%arg0: i32) -> (i32, i32) {
    %c0_i32 = arith.constant 0 : i32
    %c0_i32_0 = arith.constant 0 : i32
    return %arg0, %c0_i32 : i32, i32
  }
}

module attributes {stable_mosaic.version = 14 : i64} {
  func.func @_finalize_body(%arg0: memref<2x1024x128xf32, #tpu.memory_space<vmem>>, %arg1: memref<1024x1xf32, #tpu.memory_space<vmem>>, %arg2: memref<1024x64xf32, #tpu.memory_space<vmem>>, %arg3: memref<1024x1xf32, #tpu.memory_space<vmem>>, %arg4: memref<1024x64xf32, #tpu.memory_space<vmem>>, %arg5: memref<1024x64xf32, #tpu.memory_space<vmem>>) attributes {dimension_semantics = [], scalar_prefetch = 0 : i64, scratch_operands = 0 : i64, tpu.core_type = #tpu.core_type<tc>} {
    %get3A = arith.constant 0 : index
    %get3A_0 = arith.constant 0 : index
    %get3A_1 = arith.constant 64 : index
    %get3A_2 = vector.load %arg0[%get3A, %get3A_0, %get3A_1] : memref<2x1024x128xf32, #tpu.memory_space<vmem>>, vector<1x1024x1xf32>
    %get3A_3 = vector.shape_cast %get3A_2 : vector<1x1024x1xf32> to vector<1024x1xf32>
    %get3A_4 = arith.constant 1 : index
    %get3A_5 = arith.constant 0 : index
    %get3A_6 = arith.constant 64 : index
    %get3A_7 = vector.load %arg0[%get3A_4, %get3A_5, %get3A_6] : memref<2x1024x128xf32, #tpu.memory_space<vmem>>, vector<1x1024x1xf32>
    %get3A_8 = vector.shape_cast %get3A_7 : vector<1x1024x1xf32> to vector<1024x1xf32>
    %add3A = arith.addf %get3A_3, %get3A_8 : vector<1024x1xf32>
    %get3A_9 = arith.constant 0 : index
    %get3A_10 = arith.constant 0 : index
    %get3A_11 = arith.constant 0 : index
    %get3A_12 = vector.load %arg0[%get3A_9, %get3A_10, %get3A_11] : memref<2x1024x128xf32, #tpu.memory_space<vmem>>, vector<1x1024x64xf32>
    %get3A_13 = vector.shape_cast %get3A_12 : vector<1x1024x64xf32> to vector<1024x64xf32>
    %get3A_14 = arith.constant 1 : index
    %get3A_15 = arith.constant 0 : index
    %get3A_16 = arith.constant 0 : index
    %get3A_17 = vector.load %arg0[%get3A_14, %get3A_15, %get3A_16] : memref<2x1024x128xf32, #tpu.memory_space<vmem>>, vector<1x1024x64xf32>
    %get3A_18 = vector.shape_cast %get3A_17 : vector<1x1024x64xf32> to vector<1024x64xf32>
    %add3A_19 = arith.addf %get3A_13, %get3A_18 : vector<1024x64xf32>
    %get3A_20 = arith.constant 0 : index
    %get3A_21 = arith.constant 0 : index
    %get3A_22 = vector.load %arg1[%get3A_20, %get3A_21] : memref<1024x1xf32, #tpu.memory_space<vmem>>, vector<1024x1xf32>
    %mul3A = arith.constant 9.900000e-01 : f32
    %mul3A_23 = vector.broadcast %mul3A : f32 to vector<1024x1xf32>
    %mul3A_24 = arith.mulf %get3A_22, %mul3A_23 : vector<1024x1xf32>
    %mul3A_25 = arith.constant 0.00999999977 : f32
    %mul3A_26 = vector.broadcast %mul3A_25 : f32 to vector<1024x1xf32>
    %mul3A_27 = arith.mulf %add3A, %mul3A_26 : vector<1024x1xf32>
    %add3A_28 = arith.addf %mul3A_24, %mul3A_27 : vector<1024x1xf32>
    %add3A_29 = arith.constant 9.99999974E-6 : f32
    %add3A_30 = vector.broadcast %add3A_29 : f32 to vector<1024x1xf32>
    %add3A_31 = arith.addf %add3A_28, %add3A_30 : vector<1024x1xf32>
    %div3A = arith.constant 64.0102386 : f32
    %div3A_32 = vector.broadcast %div3A : f32 to vector<1024x1xf32>
    %div3A_33 = arith.divf %add3A_31, %div3A_32 : vector<1024x1xf32>
    %mul3A_34 = arith.constant 6.400000e+01 : f32
    %mul3A_35 = vector.broadcast %mul3A_34 : f32 to vector<1024x1xf32>
    %mul3A_36 = arith.mulf %div3A_33, %mul3A_35 : vector<1024x1xf32>
    %get3A_37 = arith.constant 0 : index
    %get3A_38 = arith.constant 0 : index
    %get3A_39 = vector.load %arg2[%get3A_37, %get3A_38] : memref<1024x64xf32, #tpu.memory_space<vmem>>, vector<1024x64xf32>
    %mul3A_40 = arith.constant 9.900000e-01 : f32
    %mul3A_41 = vector.broadcast %mul3A_40 : f32 to vector<1024x64xf32>
    %mul3A_42 = arith.mulf %get3A_39, %mul3A_41 : vector<1024x64xf32>
    %mul3A_43 = arith.constant 0.00999999977 : f32
    %mul3A_44 = vector.broadcast %mul3A_43 : f32 to vector<1024x64xf32>
    %mul3A_45 = arith.mulf %add3A_19, %mul3A_44 : vector<1024x64xf32>
    %add3A_46 = arith.addf %mul3A_42, %mul3A_45 : vector<1024x64xf32>
    %swap3A = arith.constant 0 : index
    %swap3A_47 = arith.constant 0 : index
    %swap3A_48 = vector.load %arg3[%swap3A, %swap3A_47] : memref<1024x1xf32, #tpu.memory_space<vmem>>, vector<1024x1xf32>
    tpu.vector_store %arg3[%swap3A, %swap3A_47], %mul3A_36 {strides = array<i32>} : memref<1024x1xf32, #tpu.memory_space<vmem>>, vector<1024x1xf32>,
    %swap3A_49 = arith.constant 0 : index
    %swap3A_50 = arith.constant 0 : index
    %swap3A_51 = vector.load %arg4[%swap3A_49, %swap3A_50] : memref<1024x64xf32, #tpu.memory_space<vmem>>, vector<1024x64xf32>
    tpu.vector_store %arg4[%swap3A_49, %swap3A_50], %add3A_46 {strides = array<i32>} : memref<1024x64xf32, #tpu.memory_space<vmem>>, vector<1024x64xf32>,
    %div3A_52 = vector.broadcast %mul3A_36 : vector<1024x1xf32> to vector<1024x64xf32>
    %div3A_53 = arith.divf %add3A_46, %div3A_52 : vector<1024x64xf32>
    %swap3A_54 = arith.constant 0 : index
    %swap3A_55 = arith.constant 0 : index
    %swap3A_56 = vector.load %arg5[%swap3A_54, %swap3A_55] : memref<1024x64xf32, #tpu.memory_space<vmem>>, vector<1024x64xf32>
    tpu.vector_store %arg5[%swap3A_54, %swap3A_55], %div3A_53 {strides = array<i32>} : memref<1024x64xf32, #tpu.memory_space<vmem>>, vector<1024x64xf32>,
    return
  }
}

</mosaic_0001>

<sc_bundles>
// kernel: kernel.5.cloned.1.call-start
scs
__scs_entry_jumppad:
0x0: {  	(pc) =	sbr.rel $0x88, $3  }
0x1: {  	(tag) =	ssettag $0x0;
	lr =	simm.s32 $0x1  }
0x2: {  	[smem:$0x3F9D] =	sst lr;
	_ =	strace $0xD0000000  }
0x3: {  	_ = 	snop  }
0x4: {  	_ = 	snop  }
0x5: {  	_ = 	snop  }
0x6: {  	_ = 	snop  }
0x7: {  	_ = 	snop  }
__scs_overlays_trampoline_lowered:
0x8: {  	[smem:$0x3FAC] =	sst s0  }
0x9: {  	[smem:$0x3FAD] =	sst s1  }
0xa: {  	[smem:$0x3FAE] =	sst s2  }
0xb: {  	[smem:$0x3FAF] =	sst s3  }
0xc: {  	[smem:$0x3FB0] =	sst s4  }
0xd: {  	[smem:$0x3FB1] =	sst s5  }
0xe: {  	[smem:$0x3FB2] =	sst s6  }
0xf: {  	[smem:$0x3FB3] =	sst s7  }
0x10: {  	[smem:$0x3FB4] =	sst s8  }
0x11: {  	[smem:$0x3FB5] =	sst s9;
	s0 =	simm.s32 @!p0 $0x0  }
0x12: {  	s1 =	sld [smem:$0x3F9B];
	s0 =	simm.s32 @p0 $0x1  }
0x13: {  	[smem:$0x3FB6] =	sst s0;
	s0 =	simm.s32 @!p1 $0x0  }
0x14: {  	s2 =	sld [smem:$0x3F9A];
	s0 =	simm.s32 @p1 $0x1  }
0x15: {  	[smem:$0x3FB7] =	sst s0;
	s0 =	simm.s32 @!p2 $0x0  }
0x16: {  	s3 =	sld [smem:$0x3FDB];
	s0 =	simm.s32 @p2 $0x1  }
0x17: {  	s4 =	simm.s32 $0x1BF5;
	[smem:$0x3FB9] =	sst s0  }
0x18: {  	s0 =	sld [smem:$0x3F9C];
	_ =	swait.ge [sflag:s4], $0x0  }
0x19: {  	s7 =	sld [smem:$0x3F9D]  }
0x1a: {  	s8 =	sadd.s32 $0xFFFFE003, lr  }
0x1b: {  	s9 =	sadd.s32 $0xFFFFFEF7, lr;
	s5 =	simm.s32 $0xFFFFFFFF;
	p2 =	slt.u32 s8, $0xFFFFF086  }
0x1c: {  	p1 =	slt.u32 s9, $0xF7A;
	s5 =	simm.s32 @!p2 $0x0  }
0x1d: {  	s5 =	simm.s32 @p1 $0x1;
	p0 =	seq.s32 s7, s2  }
0x1e: {  	s7 =	smul.u32 @!p0 $0xF7A, s2;
	p2 =	seq.s32 @!p0 s5, $0x0  }
0x1f: {  	s9 =	smul.u32 $0xF7A, s1;
	s8 =	simm.s32 @!p0 $0x1BF5;
	p2 =	por !p2, p0  }
0x20: {  	[sflag:s8] =	ssyncset.s32 @!p0 $0xFFFFF086;
	s6 =	sadd.s32 @!p0 s3, s7;
	s7 =	simm.s32 @!p0 $0x108  }
0x21: {  	s3 =	sadd.s32 s3, s9;
	s6 =	sadd.s32 @!p0 $0x88, s6;
	s7 =	simm.s32 @p2 $0x1082  }
0x22: {  	[simem:s7], [sflag:s8] =	dma.local @!p0 [hbm:s6], $0xF7A  }
0x23: {  	s9 =	sor.u32 $0xD0000000, s2;
	s6 =	simm.s32 $0x108;
	_ =	swait.ge @!p0 [sflag:s8], $0x0  }
0x24: {  	s3 =	sadd.s32 $0x88, s3;
	s6 =	simm.s32 @!p1 $0x1082;
	[sflag:s4] =	ssyncset.s32 $0xFFFFF086  }
0x25: {  	[simem:s6], [sflag:s4] =	dma.local [hbm:s3], $0xF7A  }
0x26: {  	[smem:$0x3F9D] =	sst s1;
	(tag) =	ssettag s2;
	_ =	strace s9  }
0x27: {  	s1 =	sld [smem:$0x3FAD]  }
0x28: {  	s2 =	sld [smem:$0x3FAE]  }
0x29: {  	s4 =	sld [smem:$0x3FB0]  }
0x2a: {  	p0 =	seq.s32 s5, $0x0;
	s5 =	sld [smem:$0x3FB1]  }
0x2b: {  	s6 =	sld [smem:$0x3FB2]  }
0x2c: {  	s7 =	sld [smem:$0x3FB3]  }
0x2d: {  	s3 =	simm.s32 $0x108;
	s8 =	sld [smem:$0x3FB4]  }
0x2e: {  	s3 =	simm.s32 @!p0 $0x1082;
	s9 =	sld [smem:$0x3FB5]  }
0x2f: {  	lr =	sadd.s32 s0, s3;
	s0 =	sld [smem:$0x3FAC]  }
0x30: {  	s3 =	sld [smem:$0x3FAF]  }
0x31: {  	[smem:$0x3FB8] =	sst s10  }
0x32: {  	s10 =	sld [smem:$0x3FB6];
	_ =	sdelay $0x3  }
0x33: {  	p0 =	seq.s32 s10, $0x1;
	s10 =	sld [smem:$0x3FB8];
	_ =	sdelay $0x3  }
0x34: {  	[smem:$0x3FB8] =	sst s10  }
0x35: {  	s10 =	sld [smem:$0x3FB7];
	_ =	sdelay $0x3  }
0x36: {  	p1 =	seq.s32 s10, $0x1;
	s10 =	sld [smem:$0x3FB8];
	_ =	sdelay $0x3  }
0x37: {  	[smem:$0x3FB8] =	sst s10  }
0x38: {  	s10 =	sld [smem:$0x3FB9]  }
0x39: {  	_ = 	snop;
	(pc) =	sbr.ind lr, $3  }
0x3a: {  	_ = 	snop  }
0x3b: {  	_ = 	snop  }
0x3c: {  	p2 =	seq.s32 s10, $0x1;
	s10 =	sld [smem:$0x3FB8]  }
0x3d: {  	_ =	shalt  }
0x3e: {  	_ =	shalt  }
0x3f: {  	_ =	shalt  }
0x40: {  	_ =	shalt  }
0x41: {  	_ =	shalt  }
0x42: {  	_ =	shalt  }
0x43: {  	_ =	shalt  }
0x44: {  	_ =	shalt  }
0x45: {  	_ =	shalt  }
0x46: {  	_ =	shalt  }
0x47: {  	_ =	shalt  }
0x48: {  	_ =	shalt  }
0x49: {  	_ =	shalt  }
0x4a: {  	_ =	shalt  }
0x4b: {  	_ =	shalt  }
0x4c: {  	_ =	shalt  }
0x4d: {  	_ =	shalt  }
0x4e: {  	_ =	shalt  }
0x4f: {  	_ =	shalt  }
0x50: {  	_ =	shalt  }
0x51: {  	_ =	shalt  }
0x52: {  	_ =	shalt  }
0x53: {  	_ =	shalt  }
0x54: {  	_ =	shalt  }
0x55: {  	_ =	shalt  }
0x56: {  	_ =	shalt  }
0x57: {  	_ =	shalt  }
0x58: {  	_ =	shalt  }
0x59: {  	_ =	shalt  }
0x5a: {  	_ =	shalt  }
0x5b: {  	_ =	shalt  }
0x5c: {  	_ =	shalt  }
0x5d: {  	_ =	shalt  }
0x5e: {  	_ =	shalt  }
0x5f: {  	_ =	shalt  }
0x60: {  	_ =	shalt  }
0x61: {  	_ =	shalt  }
0x62: {  	_ =	shalt  }
0x63: {  	_ =	shalt  }
0x64: {  	_ =	shalt  }
0x65: {  	_ =	shalt  }
0x66: {  	_ =	shalt  }
0x67: {  	_ =	shalt  }
0x68: {  	_ =	shalt  }
0x69: {  	_ =	shalt  }
0x6a: {  	_ =	shalt  }
0x6b: {  	_ =	shalt  }
0x6c: {  	_ =	shalt  }
0x6d: {  	_ =	shalt  }
0x6e: {  	_ =	shalt  }
0x6f: {  	_ =	shalt  }
0x70: {  	_ =	shalt  }
0x71: {  	_ =	shalt  }
0x72: {  	_ =	shalt  }
0x73: {  	_ =	shalt  }
0x74: {  	_ =	shalt  }
0x75: {  	_ =	shalt  }
0x76: {  	_ =	shalt  }
0x77: {  	_ =	shalt  }
0x78: {  	_ =	shalt  }
0x79: {  	_ =	shalt  }
0x7a: {  	_ =	shalt  }
0x7b: {  	_ =	shalt  }
0x7c: {  	_ =	shalt  }
0x7d: {  	_ =	shalt  }
0x7e: {  	_ =	shalt  }
0x7f: {  	_ =	shalt  }
0x80: {  	_ =	shalt  }
0x81: {  	_ =	shalt  }
0x82: {  	_ =	shalt  }
0x83: {  	_ =	shalt  }
0x84: {  	_ =	shalt  }
0x85: {  	_ =	shalt  }
0x86: {  	_ =	shalt  }
0x87: {  	_ =	shalt  }
.Lfunc_end0:
.L_simem_size_0:
called_computation_lowered:
.L_overlay_start_0:
0x88: {  	s2 =	sld [smem:$0x3FD9]  }
0x89: {  	s3 =	sld [smem:$0x3FFE];
	_ =	sdelay $0x1  }
0x8a: {  	s1 =	srdreg.scid  }
0x8b: {  	s0 =	sand.u32 $0x1, s1  }
0x8c: {  	s14 =	sshll.u32 s0, $0xA;
	s2 =	sadd.s32 s3, s2  }
0x8d: {  	s2 =	sadd.s32 s2, s14  }
0x8e: {  	[smem:$0x3FC4] =	sst s2  }
0x8f: {  	_ = 	snop  }
0x90: {  	s2 =	sld [smem:$0x3FD0];
	_ =	sdelay $0x2  }
0x91: {  	s15 =	simm.s32 $0xA;
	s4 =	simm.s32 $0x10  }
0x92: {  	[smem:s4], [sflag:s15] =	dma.local [hbm:s2], $0x1  }
0x93: {  	_ =	swait.eq [sflag:s15], $0x1  }
0x94: {  	[sflag:s15] =	ssyncset.done $0x0  }
0x95: {  	s16 =	sld [smem:$0x11];
	[sflag:s15] =	ssyncadd.s32 $0xFFFFFFFF  }
0x96: {  	s17 =	sld [smem:$0x14];
	(tm) =	ssettm $0x1  }
0x97: {  	s18 =	sld [smem:$0x3FFB];
	_ =	sdelay $0x3  }
0x98: {  	_ =	strace s18  }
0x99: {  	s4 =	sld [smem:$0x3FFC];
	_ =	sdelay $0x3  }
0x9a: {  	_ =	strace s4  }
0x9b: {  	s4 =	sld [smem:$0x3FFD];
	_ =	sdelay $0x3  }
0x9c: {  	_ =	strace s4  }
0x9d: {  	_ =	strace $0x8FFFFFFF  }
0x9e: {  	s19 =	sld [smem:$0x3FDB];
	_ =	sdelay $0x1  }
0x9f: {  	s5 =	simm.s32 $_scs_section_size  }
0xa0: {  	s6 =	simm.s32 $_size__tile_overlayer_lowered;
	s7 =	simm.s32 $_tile_overlayer_lowered  }
0xa1: {  	s22 =	simm.s32 $0x1BFF;
	s21 =	sshll.u32 s7, $0x1;
	s4 =	sadd.s32 s5, s19  }
0xa2: {  	s8 =	simm.s32 $0x0;
	s20 =	sshll.u32 s6, $0x1;
	s6 =	sadd.s32 s21, s4  }
0xa3: {  	[timem:s8], [sflag:s22] =	dma.local [hbm:s6], s20  }
0xa4: {  	_ =	swait.ge [sflag:s22], s20  }
0xa5: {  	s5 =	ssub.s32 $0x0, s20;
	[sflag:s22] =	ssyncset.done $0x0  }
0xa6: {  	[sflag:s22] =	ssyncadd.s32 s5;
	_ =	sdelay $0x1  }
0xa7: {  	s23 =	simm.s32 $0x1B8B  }
0xa8: {  	_ =	swait.ge [sflag:s23], $0x1  }
0xa9: {  	[sflag:s23] =	ssyncset.done $0x0  }
0xaa: {  	s25 =	simm.s32 $0x1B8E;
	s24 =	sld [smem:$0x3FFE];
	[sflag:s23] =	ssyncadd.s32 $0xFFFFFFFF  }
0xab: {  	s26 =	simm.s32 $execute0_lowered;
	[smem:$0x3FD2] =	sst s25  }
0xac: {  	s6 =	sshll.u32 s26, $0x1;
	_ =	strace $0x80000046;
	[dreg:$0x1] =	wrdreg $0xFFFFFFFF  }
0xad: {  	s28 =	simm.s32 $_size_execute0_lowered;
	s4 =	sadd.s32 s4, s6;
	[dreg:$0x0] =	wrdreg $0x0  }
0xae: {  	s6 =	sshll.u32 s28, $0x1;
	[dreg:$0x2] =	wrdreg s4  }
0xaf: {  	[dreg:$0x3] =	wrdreg s6  }
0xb0: {  	[dreg:$0x4] =	wrdreg $0xC0  }
0xb1: {  	_ =	task [dreg:s8], $0x5FFFF  }
0xb2: {  	[dreg:$0x1] =	wrdreg $0xFFFFFFFF  }
0xb3: {  	[dreg:$0x0] =	wrdreg $0x60  }
0xb4: {  	[dreg:$0x2] =	wrdreg s24  }
0xb5: {  	[dreg:$0x3] =	wrdreg s17  }
0xb6: {  	[dreg:$0x4] =	wrdreg s16  }
0xb7: {  	[dreg:$0x5] =	wrdreg $0x141800  }
0xb8: {  	[dreg:$0x6] =	wrdreg $0x9  }
0xb9: {  	_ =	task.clear_ibuf [dreg:s8], $0x7FFFF;
	_ =	strace $0x90000046  }
0xba: {  	s29 =	simm.s32 $0x9;
	_ =	strace $0x80000048  }
0xbb: {  	_ =	swait.ge [sflag:s29], $0x1  }
0xbc: {  	[sflag:s29] =	ssyncadd.s32 $0xFFFFFFFF  }
0xbd: {  	_ =	strace $0x90000048  }
0xbe: {  	_ =	sfence  }
0xbf: {  	s30 =	sld [smem:$0x0];
	_ =	sdelay $0x2  }
0xc0: {  	s31 =	sshll.u32 s1, $0xD;
	s1 =	sshrl.u32 s1, $0x2  }
0xc1: {  	s3 =	sand.u32 $0x4000, s31;
	s1 =	sadd.s32 s1, s30  }
0xc2: {  	s0 =	sor.u32 s3, s0;
	s1 =	sshll.u32 s1, $0x11  }
0xc3: {  	s0 =	sor.u32 s1, s0  }
0xc4: {  	s0 =	sadd.s32 $0x8F2B, s0  }
0xc5: {  	[sflag:s0] =	ssyncadd.remote.s32 $0x1  }
0xc6: {  	_ =	sfence.sel $0xFFFF  }
0xc7: {  	[dreg:$0x0] =	wrdreg $0xFFFFFFFF;
	(pc) =	sbr.abs _section_cstart, $3  }
0xc8: {  	[dreg:$0x1] =	wrdreg $0xFFFFFFFF  }
0xc9: {  	_ =	task.clear_ibuf [dreg:s8], $0x2FFFF;
	_ =	strace $0x9FFFFFFF  }
0xca: {  	(tm) =	ssettm $0x7FFFFFFF  }
0xcb: {  	_ =	shalt  }
tec
execute0_lowered:
.L_overlay_start_1:
0x0: {  	(tag) =	ssettag $0x1  }
0x1: {  	s0 =	rddreg [dreg:$0x0]  }
0x2: {  	s5 =	rddreg [dreg:$0x1]  }
0x3: {  	s4 =	rddreg [dreg:$0x2]  }
0x4: {  	s1 =	rddreg [dreg:$0x3]  }
0x5: {  	s31 =	rddreg [dreg:$0x4]  }
0x6: {  	s3 =	srdreg.scid;
	s6 =	stileid.u32;
	s2 =	simm.s32 $0x0  }
0x7: {  	s28 =	simm.s32 $0x1;
	p1 =	por $0x0, $0x0;
	s7 =	sand.u32 $0x1, s3  }
0x8: {  	s26 =	sshll.u32 s6, $0x1;
	[smem:$0x7FF] =	sst s2;
	s9 =	sadd.s32 $0x4A00, s0  }
0x9: {  	s8 =	sadd.s32 $0x90A00, s0;
	s3 =	sadd.s32 $0xA00, s0;
	p0 =	sne.s32 s6, $0x0  }
0xa: {  	s6 =	simm.s32 $0x80;
	s11 =	sor.u32 s7, s26;
	_ =	strace $0x80000047  }
0xb: {  	[dreg:$0x5] =	wrdreg s9;
	s9 =	sadd.s32 $0x120A00, s0;
	s10 =	smul.u32 $0x480, s11  }
0xc: {  	s12 =	smul.u32 $0x4800, s11;
	s11 =	ssub.s32 $0x2, s7;
	s7 =	sshll.u32 s7, $0xE  }
0xd: {  	s4 =	sadd.s32 s4, s7;
	s7 =	simm.s32 $0xC180;
	s29 =	sshrl.u32 s10, $0x3  }
0xe: {  	s13 =	sadd.s32 $0x80, s10;
	s30 =	sadd.s32 s8, s12;
	s16 =	sadd.s32 $0x100, s10  }
0xf: {  	s17 =	sadd.s32 s9, s12;
	s22 =	sadd.s32 $0x180, s10;
	s12 =	simm.s32 $0x9  }
0x10: {  	s0 =	sadd.s32 s5, s29;
	s14 =	sshrl.u32 s13, $0x3;
	[dreg:$0x7] =	wrdreg s30  }
0x11: {  	s13 =	sshll.u32 s13, $0x4;
	s18 =	sshrl.u32 s16, $0x3;
	[dreg:$0xa] =	wrdreg s17  }
0x12: {  	s20 =	sshll.u32 s16, $0x4;
	[dreg:$0x6] =	wrdreg s0;
	s14 =	sadd.s32 s5, s14  }
0x13: {  	s24 =	sshrl.u32 s22, $0x3;
	s15 =	sadd.s32 s8, s13;
	[dreg:$0x8] =	wrdreg s14  }
0x14: {  	s26 =	sshll.u32 s22, $0x4;
	s19 =	sadd.s32 s5, s18;
	[dreg:$0x9] =	wrdreg s15  }
0x15: {  	s30 =	sadd.s32 $0x200, s10;
	s21 =	sadd.s32 s8, s20;
	[dreg:$0xb] =	wrdreg s19  }
0x16: {  	s23 =	sadd.s32 s9, s13;
	s25 =	sadd.s32 s5, s24;
	[dreg:$0xc] =	wrdreg s21  }
0x17: {  	s29 =	sadd.s32 s8, s26;
	s16 =	sshrl.u32 s30, $0x3;
	[dreg:$0xd] =	wrdreg s23  }
0x18: {  	s18 =	sshll.u32 s30, $0x4;
	s13 =	simm.s32 $0x4;
	[dreg:$0xe] =	wrdreg s25  }
0x19: {  	[dreg:$0xf] =	wrdreg s29;
	s15 =	sadd.s32 s9, s20;
	s17 =	sadd.s32 s5, s16  }
0x1a: {  	s19 =	sadd.s32 s8, s18;
	s20 =	sadd.s32 $0x280, s10;
	[dreg:$0x10] =	wrdreg s15  }
0x1b: {  	s21 =	sadd.s32 s9, s26;
	s26 =	sadd.s32 $0x300, s10;
	[dreg:$0x11] =	wrdreg s17  }
0x1c: {  	s29 =	sadd.s32 s9, s18;
	s18 =	sadd.s32 $0x380, s10;
	[dreg:$0x12] =	wrdreg s19  }
0x1d: {  	s14 =	simm.s32 $0x100;
	s22 =	sshrl.u32 s20, $0x3;
	[dreg:$0x13] =	wrdreg s21  }
0x1e: {  	s24 =	sshll.u32 s20, $0x4;
	[dreg:$0x16] =	wrdreg s29;
	s23 =	sadd.s32 s5, s22  }
0x1f: {  	s30 =	sshrl.u32 s26, $0x3;
	s25 =	sadd.s32 s8, s24;
	[dreg:$0x14] =	wrdreg s23  }
0x20: {  	s16 =	sshll.u32 s26, $0x4;
	s15 =	sadd.s32 s5, s30;
	[dreg:$0x15] =	wrdreg s25  }
0x21: {  	s20 =	sshrl.u32 s18, $0x3;
	s17 =	sadd.s32 s8, s16;
	[dreg:$0x17] =	wrdreg s15  }
0x22: {  	s19 =	sadd.s32 s9, s24;
	s21 =	sadd.s32 s5, s20;
	[dreg:$0x18] =	wrdreg s17  }
0x23: {  	s22 =	sshll.u32 s18, $0x4;
	s26 =	sadd.s32 s9, s16;
	[dreg:$0x19] =	wrdreg s19  }
0x24: {  	s20 =	simm.s32 $0x4180;
	s23 =	sshrl.u32 s11, $0x1;
	[dreg:$0x1a] =	wrdreg s21  }
0x25: {  	s24 =	sadd.s32 s8, s22;
	s25 =	sadd.s32 $0x400, s10;
	s11 =	ssub.s32 s11, s23  }
0x26: {  	[dreg:$0x1c] =	wrdreg s26;
	s29 =	sshrl.u32 s25, $0x3;
	s30 =	smax.u32 s11, $0x1  }
0x27: {  	s18 =	sadd.s32 s9, s22;
	s19 =	sadd.s32 s5, s29;
	s5 =	sadd.s32 $0xFFFFFFFF, s30  }
0x28: {  	s26 =	simm.s32 $0x2;
	s22 =	simm.s32 $0x10180;
	p2 =	sne.s32 s5, $0x0  }
.Ltmp0:
0x29: {  	s15 =	simm.s32 $0x8180;
	s21 =	simm.s32 $0x3;
	(pc) =	sbr.rel @!p2 .LBB2_1-.Ltmp0, $4  }
0x2a: {  	s17 =	simm.s32 $0x7;
	s10 =	sshrl.u32 @!p0 s1, $0x3;
	[dreg:$0x1b] =	wrdreg s24  }
0x2b: {  	s0 =	sshll.u32 s25, $0x4;
	s25 =	simm.s32 $0x180;
	s24 =	simm.s32 $0x5  }
0x2c: {  	s23 =	sadd.s32 s8, s0;
	s16 =	sadd.s32 s9, s0;
	s11 =	simm.s32 $0x6  }
0x2d: {  	s8 =	simm.s32 $0x8;
	s9 =	simm.s32 $0xA;
	s0 =	rddreg [dreg:$0x5]  }
0x2e: {  	s30 =	simm.s32 @!p0 $0x1C0B;
	s29 =	simm.s32 @!p0 $0xB  }
0x2f: {  	[spmem:s10], [sflag:s30] =	dma.local @!p0 [hbm:s0], $0x4000  }
0x30: {  	_ =	swait.ge @!p0 [sflag:s29], $0x4000  }
0x31: {  	[sflag:s29] =	ssyncset.done @!p0 $0x0  }
0x32: {  	[sflag:s29] =	ssyncadd.s32 @!p0 $0xFFFFC000  }
0x33: {  	[bflag:$0x0] =	sbarrier.arrive $0xFFFF  }
0x34: {  	s0 =	rddreg [dreg:$0x6]  }
0x35: {  	[tilespmem:s2], [sflag:$0x1] =	stream.linear.gather [hbm4b:s0+s2], $0x80, $0x38;
	[tilespmem:$0x16180] =	vst v63  }
0x36: {  	s31 =	rddreg [dreg:$0x7]  }
0x37: {  	[tilespmem:s25], [sflag:$0x1] =	stream.linear.gather [hbm4b:s31+s2], $0x4000, $0x38;
	[tilespmem:$0x16180] =	vst v63  }
0x38: {  	_ =	swait.ge [sflag:s28], $0x80  }
0x39: {  	[sflag:s28] =	ssyncset.done $0x0  }
0x3a: {  	[sflag:s28] =	ssyncadd.s32 $0xFFFFFF80  }
0x3b: {  	_ =	swait.ge [sflag:s28], $0x4000  }
0x3c: {  	[sflag:s28] =	ssyncset.done $0x0  }
0x3d: {  	[sflag:s28] =	ssyncadd.s32 $0xFFFFC000  }
0x3e: {  	[tilespmem:s7], [sflag:$0x4] =	stream.indirect.gather [hbm4b:s3+s6], $0x80, s2, s6, $0xb8;
	[tilespmem:$0x16180] =	vst v63  }
0x3f: {  	s0 =	rddreg [dreg:$0x8]  }
0x40: {  	[tilespmem:s6], [sflag:$0x2] =	stream.linear.gather [hbm4b:s0+s2], $0x80, $0x38;
	[tilespmem:$0x16180] =	vst v63  }
0x41: {  	s31 =	rddreg [dreg:$0x9]  }
0x42: {  	[tilespmem:s20], [sflag:$0x2] =	stream.linear.gather [hbm4b:s31+s2], $0x4000, $0x38;
	[tilespmem:$0x16180] =	vst v63  }
0x43: {  	_ =	swait.ge [sflag:s13], $0x4000  }
0x44: {  	[sflag:s13] =	ssyncset.done $0x0  }
0x45: {  	s0 =	rddreg [dreg:$0xa];
	[sflag:s13] =	ssyncadd.s32 $0xFFFFC000  }
0x46: {  	[hbm4b:s0+s2] =	stream.linear.scatter [tilespmem:s7], [sflag:$0x6], $0x4000, $0x38;
	[tilespmem:$0x16180] =	vst v63  }
0x47: {  	_ = 	snop  }
0x48: {  	[spmem:s1] =	stream.indirect.scatter.add.f32 [tilespmem:s25], [sflag:$0x8], $0x80, s2, s6, $0xb8;
	[tilespmem:$0x16180] =	vst v63  }
0x49: {  	_ =	swait.ge [sflag:s26], $0x80  }
0x4a: {  	[sflag:s26] =	ssyncset.done $0x0  }
0x4b: {  	[sflag:s26] =	ssyncadd.s32 $0xFFFFFF80  }
0x4c: {  	_ =	swait.ge [sflag:s26], $0x4000  }
0x4d: {  	[sflag:s26] =	ssyncset.done $0x0  }
0x4e: {  	[sflag:s26] =	ssyncadd.s32 $0xFFFFC000  }
0x4f: {  	[tilespmem:s22], [sflag:$0x5] =	stream.indirect.gather [hbm4b:s3+s6], $0x80, s6, s6, $0xb8;
	[tilespmem:$0x16180] =	vst v63  }
0x50: {  	s0 =	rddreg [dreg:$0xb]  }
0x51: {  	[tilespmem:s14], [sflag:$0x3] =	stream.linear.gather [hbm4b:s0+s2], $0x80, $0x38;
	[tilespmem:$0x16180] =	vst v63  }
0x52: {  	s31 =	rddreg [dreg:$0xc]  }
0x53: {  	[tilespmem:s15], [sflag:$0x3] =	stream.linear.gather [hbm4b:s31+s2], $0x4000, $0x38;
	[tilespmem:$0x16180] =	vst v63  }
0x54: {  	_ =	swait.ge [sflag:s24], $0x4000  }
0x55: {  	[sflag:s24] =	ssyncset.done $0x0  }
0x56: {  	s0 =	rddreg [dreg:$0xd];
	[sflag:s24] =	ssyncadd.s32 $0xFFFFC000  }
0x57: {  	[hbm4b:s0+s2] =	stream.linear.scatter [tilespmem:s22], [sflag:$0x7], $0x4000, $0x38;
	[tilespmem:$0x16180] =	vst v63  }
0x58: {  	_ = 	snop  }
0x59: {  	[spmem:s1] =	stream.indirect.scatter.add.f32 [tilespmem:s20], [sflag:$0x9], $0x80, s6, s6, $0xb8;
	[tilespmem:$0x16180] =	vst v63  }
0x5a: {  	_ =	swait.ge [sflag:s21], $0x80  }
0x5b: {  	[sflag:s21] =	ssyncset.done $0x0  }
0x5c: {  	[sflag:s21] =	ssyncadd.s32 $0xFFFFFF80  }
0x5d: {  	_ =	swait.ge [sflag:s21], $0x4000  }
0x5e: {  	[sflag:s21] =	ssyncset.done $0x0  }
0x5f: {  	[sflag:s21] =	ssyncadd.s32 $0xFFFFC000  }
0x60: {  	_ =	swait.ge [sflag:s11], $0x4000  }
0x61: {  	[sflag:s11] =	ssyncset.done $0x0  }
0x62: {  	[sflag:s11] =	ssyncadd.s32 $0xFFFFC000  }
0x63: {  	[tilespmem:s7], [sflag:$0x4] =	stream.indirect.gather [hbm4b:s3+s6], $0x80, s14, s6, $0xb8;
	[tilespmem:$0x16180] =	vst v63  }
0x64: {  	_ =	swait.ge [sflag:s8], $0x4000  }
0x65: {  	[sflag:s8] =	ssyncset.done $0x0  }
0x66: {  	s0 =	rddreg [dreg:$0xe];
	[sflag:s8] =	ssyncadd.s32 $0xFFFFC000  }
0x67: {  	[tilespmem:s2], [sflag:$0x1] =	stream.linear.gather [hbm4b:s0+s2], $0x80, $0x38;
	[tilespmem:$0x16180] =	vst v63  }
0x68: {  	s31 =	rddreg [dreg:$0xf]  }
0x69: {  	[tilespmem:s25], [sflag:$0x1] =	stream.linear.gather [hbm4b:s31+s2], $0x4000, $0x38;
	[tilespmem:$0x16180] =	vst v63  }
0x6a: {  	_ =	swait.ge [sflag:s13], $0x4000  }
0x6b: {  	[sflag:s13] =	ssyncset.done $0x0  }
0x6c: {  	s0 =	rddreg [dreg:$0x10];
	[sflag:s13] =	ssyncadd.s32 $0xFFFFC000  }
0x6d: {  	[hbm4b:s0+s2] =	stream.linear.scatter [tilespmem:s7], [sflag:$0x6], $0x4000, $0x38;
	[tilespmem:$0x16180] =	vst v63  }
0x6e: {  	_ = 	snop  }
0x6f: {  	[spmem:s1] =	stream.indirect.scatter.add.f32 [tilespmem:s15], [sflag:$0xA], $0x80, s14, s6, $0xb8;
	[tilespmem:$0x16180] =	vst v63  }
0x70: {  	_ =	swait.ge [sflag:s28], $0x80  }
0x71: {  	[sflag:s28] =	ssyncset.done $0x0  }
0x72: {  	[sflag:s28] =	ssyncadd.s32 $0xFFFFFF80  }
0x73: {  	_ =	swait.ge [sflag:s28], $0x4000  }
0x74: {  	[sflag:s28] =	ssyncset.done $0x0  }
0x75: {  	[sflag:s28] =	ssyncadd.s32 $0xFFFFC000  }
0x76: {  	_ =	swait.ge [sflag:s17], $0x4000  }
0x77: {  	[sflag:s17] =	ssyncset.done $0x0  }
0x78: {  	[sflag:s17] =	ssyncadd.s32 $0xFFFFC000  }
0x79: {  	[tilespmem:s22], [sflag:$0x5] =	stream.indirect.gather [hbm4b:s3+s6], $0x80, s2, s6, $0xb8;
	[tilespmem:$0x16180] =	vst v63  }
0x7a: {  	_ =	swait.ge [sflag:s12], $0x4000  }
0x7b: {  	[sflag:s12] =	ssyncset.done $0x0  }
0x7c: {  	s0 =	rddreg [dreg:$0x11];
	[sflag:s12] =	ssyncadd.s32 $0xFFFFC000  }
0x7d: {  	[tilespmem:s6], [sflag:$0x2] =	stream.linear.gather [hbm4b:s0+s2], $0x80, $0x38;
	[tilespmem:$0x16180] =	vst v63  }
0x7e: {  	s31 =	rddreg [dreg:$0x12]  }
0x7f: {  	[tilespmem:s20], [sflag:$0x2] =	stream.linear.gather [hbm4b:s31+s2], $0x4000, $0x38;
	[tilespmem:$0x16180] =	vst v63  }
0x80: {  	_ =	swait.ge [sflag:s24], $0x4000  }
0x81: {  	[sflag:s24] =	ssyncset.done $0x0  }
0x82: {  	s0 =	rddreg [dreg:$0x13];
	[sflag:s24] =	ssyncadd.s32 $0xFFFFC000  }
0x83: {  	[hbm4b:s0+s2] =	stream.linear.scatter [tilespmem:s22], [sflag:$0x7], $0x4000, $0x38;
	[tilespmem:$0x16180] =	vst v63  }
0x84: {  	_ = 	snop  }
0x85: {  	[spmem:s1] =	stream.indirect.scatter.add.f32 [tilespmem:s25], [sflag:$0x8], $0x80, s2, s6, $0xb8;
	[tilespmem:$0x16180] =	vst v63  }
0x86: {  	_ =	swait.ge [sflag:s26], $0x80  }
0x87: {  	[sflag:s26] =	ssyncset.done $0x0  }
0x88: {  	[sflag:s26] =	ssyncadd.s32 $0xFFFFFF80  }
0x89: {  	_ =	swait.ge [sflag:s26], $0x4000  }
0x8a: {  	[sflag:s26] =	ssyncset.done $0x0  }
0x8b: {  	[sflag:s26] =	ssyncadd.s32 $0xFFFFC000  }
0x8c: {  	_ =	swait.ge [sflag:s11], $0x4000  }
0x8d: {  	[sflag:s11] =	ssyncset.done $0x0  }
0x8e: {  	[sflag:s11] =	ssyncadd.s32 $0xFFFFC000  }
0x8f: {  	[tilespmem:s7], [sflag:$0x4] =	stream.indirect.gather [hbm4b:s3+s6], $0x80, s6, s6, $0xb8;
	[tilespmem:$0x16180] =	vst v63  }
0x90: {  	_ =	swait.ge [sflag:s9], $0x4000  }
0x91: {  	[sflag:s9] =	ssyncset.done $0x0  }
0x92: {  	s0 =	rddreg [dreg:$0x14];
	[sflag:s9] =	ssyncadd.s32 $0xFFFFC000  }
0x93: {  	[tilespmem:s14], [sflag:$0x3] =	stream.linear.gather [hbm4b:s0+s2], $0x80, $0x38;
	[tilespmem:$0x16180] =	vst v63  }
0x94: {  	s31 =	rddreg [dreg:$0x15]  }
0x95: {  	[tilespmem:s15], [sflag:$0x3] =	stream.linear.gather [hbm4b:s31+s2], $0x4000, $0x38;
	[tilespmem:$0x16180] =	vst v63  }
0x96: {  	_ =	swait.ge [sflag:s13], $0x4000  }
0x97: {  	[sflag:s13] =	ssyncset.done $0x0  }
0x98: {  	s0 =	rddreg [dreg:$0x16];
	[sflag:s13] =	ssyncadd.s32 $0xFFFFC000  }
0x99: {  	[hbm4b:s0+s2] =	stream.linear.scatter [tilespmem:s7], [sflag:$0x6], $0x4000, $0x38;
	[tilespmem:$0x16180] =	vst v63  }
0x9a: {  	_ = 	snop  }
0x9b: {  	[spmem:s1] =	stream.indirect.scatter.add.f32 [tilespmem:s20], [sflag:$0x9], $0x80, s6, s6, $0xb8;
	[tilespmem:$0x16180] =	vst v63  }
0x9c: {  	_ =	swait.ge [sflag:s21], $0x80  }
0x9d: {  	[sflag:s21] =	ssyncset.done $0x0  }
0x9e: {  	[sflag:s21] =	ssyncadd.s32 $0xFFFFFF80  }
0x9f: {  	_ =	swait.ge [sflag:s21], $0x4000  }
0xa0: {  	[sflag:s21] =	ssyncset.done $0x0  }
0xa1: {  	[sflag:s21] =	ssyncadd.s32 $0xFFFFC000  }
0xa2: {  	_ =	swait.ge [sflag:s17], $0x4000  }
0xa3: {  	[sflag:s17] =	ssyncset.done $0x0  }
0xa4: {  	[sflag:s17] =	ssyncadd.s32 $0xFFFFC000  }
0xa5: {  	[tilespmem:s22], [sflag:$0x5] =	stream.indirect.gather [hbm4b:s3+s6], $0x80, s14, s6, $0xb8;
	[tilespmem:$0x16180] =	vst v63  }
0xa6: {  	_ =	swait.ge [sflag:s8], $0x4000  }
0xa7: {  	[sflag:s8] =	ssyncset.done $0x0  }
0xa8: {  	s0 =	rddreg [dreg:$0x17];
	[sflag:s8] =	ssyncadd.s32 $0xFFFFC000  }
0xa9: {  	[tilespmem:s2], [sflag:$0x1] =	stream.linear.gather [hbm4b:s0+s2], $0x80, $0x38;
	[tilespmem:$0x16180] =	vst v63  }
0xaa: {  	s31 =	rddreg [dreg:$0x18]  }
0xab: {  	[tilespmem:s25], [sflag:$0x1] =	stream.linear.gather [hbm4b:s31+s2], $0x4000, $0x38;
	[tilespmem:$0x16180] =	vst v63  }
0xac: {  	_ =	swait.ge [sflag:s24], $0x4000  }
0xad: {  	[sflag:s24] =	ssyncset.done $0x0  }
0xae: {  	s0 =	rddreg [dreg:$0x19];
	[sflag:s24] =	ssyncadd.s32 $0xFFFFC000  }
0xaf: {  	[hbm4b:s0+s2] =	stream.linear.scatter [tilespmem:s22], [sflag:$0x7], $0x4000, $0x38;
	[tilespmem:$0x16180] =	vst v63  }
0xb0: {  	_ = 	snop  }
0xb1: {  	[spmem:s1] =	stream.indirect.scatter.add.f32 [tilespmem:s15], [sflag:$0xA], $0x80, s14, s6, $0xb8;
	[tilespmem:$0x16180] =	vst v63  }
0xb2: {  	_ =	swait.ge [sflag:s28], $0x80  }
0xb3: {  	[sflag:s28] =	ssyncset.done $0x0  }
0xb4: {  	[sflag:s28] =	ssyncadd.s32 $0xFFFFFF80  }
0xb5: {  	_ =	swait.ge [sflag:s28], $0x4000  }
0xb6: {  	[sflag:s28] =	ssyncset.done $0x0  }
0xb7: {  	[sflag:s28] =	ssyncadd.s32 $0xFFFFC000  }
0xb8: {  	_ =	swait.ge [sflag:s11], $0x4000  }
0xb9: {  	[sflag:s11] =	ssyncset.done $0x0  }
0xba: {  	[sflag:s11] =	ssyncadd.s32 $0xFFFFC000  }
0xbb: {  	[tilespmem:s7], [sflag:$0x4] =	stream.indirect.gather [hbm4b:s3+s6], $0x80, s2, s6, $0xb8;
	[tilespmem:$0x16180] =	vst v63  }
0xbc: {  	_ =	swait.ge [sflag:s12], $0x4000  }
0xbd: {  	[sflag:s12] =	ssyncset.done $0x0  }
0xbe: {  	s0 =	rddreg [dreg:$0x1a];
	[sflag:s12] =	ssyncadd.s32 $0xFFFFC000  }
0xbf: {  	[tilespmem:s6], [sflag:$0x2] =	stream.linear.gather [hbm4b:s0+s2], $0x80, $0x38;
	[tilespmem:$0x16180] =	vst v63  }
0xc0: {  	s31 =	rddreg [dreg:$0x1b]  }
0xc1: {  	[tilespmem:s20], [sflag:$0x2] =	stream.linear.gather [hbm4b:s31+s2], $0x4000, $0x38;
	[tilespmem:$0x16180] =	vst v63  }
0xc2: {  	_ =	swait.ge [sflag:s13], $0x4000  }
0xc3: {  	[sflag:s13] =	ssyncset.done $0x0  }
0xc4: {  	s0 =	rddreg [dreg:$0x1c];
	[sflag:s13] =	ssyncadd.s32 $0xFFFFC000  }
0xc5: {  	[hbm4b:s0+s2] =	stream.linear.scatter [tilespmem:s7], [sflag:$0x6], $0x4000, $0x38;
	[tilespmem:$0x16180] =	vst v63  }
0xc6: {  	_ = 	snop  }
0xc7: {  	[spmem:s1] =	stream.indirect.scatter.add.f32 [tilespmem:s25], [sflag:$0x8], $0x80, s2, s6, $0xb8;
	[tilespmem:$0x16180] =	vst v63  }
0xc8: {  	_ =	swait.ge [sflag:s26], $0x80  }
0xc9: {  	[sflag:s26] =	ssyncset.done $0x0  }
0xca: {  	[sflag:s26] =	ssyncadd.s32 $0xFFFFFF80  }
0xcb: {  	_ =	swait.ge [sflag:s26], $0x4000  }
0xcc: {  	[sflag:s26] =	ssyncset.done $0x0  }
0xcd: {  	[sflag:s26] =	ssyncadd.s32 $0xFFFFC000  }
0xce: {  	_ =	swait.ge [sflag:s17], $0x4000  }
0xcf: {  	[sflag:s17] =	ssyncset.done $0x0  }
0xd0: {  	[sflag:s17] =	ssyncadd.s32 $0xFFFFC000  }
0xd1: {  	[tilespmem:s22], [sflag:$0x5] =	stream.indirect.gather [hbm4b:s3+s6], $0x80, s6, s6, $0xb8;
	[tilespmem:$0x16180] =	vst v63  }
0xd2: {  	_ =	swait.ge [sflag:s9], $0x4000  }
0xd3: {  	[sflag:s9] =	ssyncset.done $0x0  }
0xd4: {  	[sflag:s9] =	ssyncadd.s32 $0xFFFFC000  }
0xd5: {  	[tilespmem:s14], [sflag:$0x3] =	stream.linear.gather [hbm4b:s19+s2], $0x80, $0x38;
	[tilespmem:$0x16180] =	vst v63  }
0xd6: {  	_ = 	snop  }
0xd7: {  	[tilespmem:s15], [sflag:$0x3] =	stream.linear.gather [hbm4b:s23+s2], $0x4000, $0x38;
	[tilespmem:$0x16180] =	vst v63  }
0xd8: {  	_ =	swait.ge [sflag:s24], $0x4000  }
0xd9: {  	[sflag:s24] =	ssyncset.done $0x0  }
0xda: {  	[sflag:s24] =	ssyncadd.s32 $0xFFFFC000  }
0xdb: {  	[hbm4b:s18+s2] =	stream.linear.scatter [tilespmem:s22], [sflag:$0x7], $0x4000, $0x38;
	[tilespmem:$0x16180] =	vst v63  }
0xdc: {  	_ = 	snop  }
0xdd: {  	[spmem:s1] =	stream.indirect.scatter.add.f32 [tilespmem:s20], [sflag:$0x9], $0x80, s6, s6, $0xb8;
	[tilespmem:$0x16180] =	vst v63  }
0xde: {  	_ =	swait.ge [sflag:s21], $0x80  }
0xdf: {  	[sflag:s21] =	ssyncset.done $0x0  }
0xe0: {  	[sflag:s21] =	ssyncadd.s32 $0xFFFFFF80  }
0xe1: {  	_ =	swait.ge [sflag:s21], $0x4000  }
0xe2: {  	[sflag:s21] =	ssyncset.done $0x0  }
0xe3: {  	[sflag:s21] =	ssyncadd.s32 $0xFFFFC000  }
0xe4: {  	_ =	swait.ge [sflag:s11], $0x4000  }
0xe5: {  	[sflag:s11] =	ssyncset.done $0x0  }
0xe6: {  	[sflag:s11] =	ssyncadd.s32 $0xFFFFC000  }
0xe7: {  	[tilespmem:s7], [sflag:$0x4] =	stream.indirect.gather [hbm4b:s3+s6], $0x80, s14, s6, $0xb8;
	[tilespmem:$0x16180] =	vst v63  }
0xe8: {  	_ =	swait.ge [sflag:s13], $0x4000  }
0xe9: {  	[sflag:s13] =	ssyncset.done $0x0  }
0xea: {  	[sflag:s13] =	ssyncadd.s32 $0xFFFFC000  }
0xeb: {  	[hbm4b:s16+s2] =	stream.linear.scatter [tilespmem:s7], [sflag:$0x6], $0x4000, $0x38;
	[tilespmem:$0x16180] =	vst v63  }
0xec: {  	_ = 	snop  }
0xed: {  	[spmem:s1] =	stream.indirect.scatter.add.f32 [tilespmem:s15], [sflag:$0xA], $0x80, s14, s6, $0xb8;
	[tilespmem:$0x16180] =	vst v63  }
0xee: {  	_ =	swait.ge [sflag:s17], $0x4000  }
0xef: {  	[sflag:s17] =	ssyncset.done $0x0  }
0xf0: {  	[sflag:s17] =	ssyncadd.s32 $0xFFFFC000  }
0xf1: {  	_ =	swait.ge [sflag:s11], $0x4000  }
0xf2: {  	[sflag:s11] =	ssyncset.done $0x0  }
0xf3: {  	[sflag:s11] =	ssyncadd.s32 $0xFFFFC000  }
0xf4: {  	_ =	swait.ge [sflag:s8], $0x4000  }
0xf5: {  	[sflag:s8] =	ssyncset.done $0x0  }
0xf6: {  	[sflag:s8] =	ssyncadd.s32 $0xFFFFC000  }
0xf7: {  	_ =	swait.ge [sflag:s12], $0x4000  }
0xf8: {  	[sflag:s12] =	ssyncset.done $0x0  }
0xf9: {  	[sflag:s12] =	ssyncadd.s32 $0xFFFFC000  }
0xfa: {  	s31 =	sadd.s32 $0xFFFFFFFF, s5;
	_ =	swait.ge [sflag:s9], $0x4000  }
0xfb: {  	p2 =	sne.s32 s31, $0x0;
	[sflag:s9] =	ssyncset.done $0x0  }
.Ltmp1:
0xfc: {  	[sflag:s9] =	ssyncadd.s32 $0xFFFFC000;
	(pc) =	sbr.rel @!p2 .LBB2_3-.Ltmp1, $4  }
0xfd: {  	[bflag:$0x0] =	sbarrier.arrive $0xFFFF  }
0xfe: {  	[hbm:s4], [sflag:s30] =	dma.local @!p0 [spmem:s10], $0x4000  }
0xff: {  	_ =	swait.ge @!p0 [sflag:s29], $0x4000  }
0x100: {  	p1 =	por $0x1, $0x1;
	s0 =	rddreg [dreg:$0x5];
	[sflag:s29] =	ssyncset.done @!p0 $0x0  }
.LBB2_4:
0x101: {  	[sflag:s29] =	ssyncadd.s32 @!p0 $0xFFFFC000  }
0x102: {  	[spmem:s10], [sflag:s30] =	dma.local @!p0 [hbm:s0], $0x4000  }
0x103: {  	_ =	swait.ge @!p0 [sflag:s29], $0x4000  }
0x104: {  	[sflag:s29] =	ssyncset.done @!p0 $0x0  }
0x105: {  	[sflag:s29] =	ssyncadd.s32 @!p0 $0xFFFFC000  }
0x106: {  	[bflag:$0x0] =	sbarrier.arrive $0xFFFF  }
0x107: {  	s0 =	rddreg [dreg:$0x6]  }
0x108: {  	[tilespmem:s2], [sflag:$0x1] =	stream.linear.gather [hbm4b:s0+s2], $0x80, $0x38;
	[tilespmem:$0x16180] =	vst v63  }
0x109: {  	s5 =	smov.u32 s4;
	s4 =	rddreg [dreg:$0x7]  }
0x10a: {  	[tilespmem:s25], [sflag:$0x1] =	stream.linear.gather [hbm4b:s4+s2], $0x4000, $0x38;
	[tilespmem:$0x16180] =	vst v63  }
0x10b: {  	_ =	swait.ge [sflag:s28], $0x80  }
0x10c: {  	[sflag:s28] =	ssyncset.done $0x0  }
0x10d: {  	[sflag:s28] =	ssyncadd.s32 $0xFFFFFF80  }
0x10e: {  	_ =	swait.ge [sflag:s28], $0x4000  }
0x10f: {  	[sflag:s28] =	ssyncset.done $0x0  }
0x110: {  	[sflag:s28] =	ssyncadd.s32 $0xFFFFC000  }
0x111: {  	[tilespmem:s7], [sflag:$0x4] =	stream.indirect.gather [hbm4b:s3+s6], $0x80, s2, s6, $0xb8;
	[tilespmem:$0x16180] =	vst v63  }
0x112: {  	s0 =	rddreg [dreg:$0x8]  }
0x113: {  	[tilespmem:s6], [sflag:$0x2] =	stream.linear.gather [hbm4b:s0+s2], $0x80, $0x38;
	[tilespmem:$0x16180] =	vst v63  }
0x114: {  	s4 =	rddreg [dreg:$0x9]  }
0x115: {  	[tilespmem:s20], [sflag:$0x2] =	stream.linear.gather [hbm4b:s4+s2], $0x4000, $0x38;
	[tilespmem:$0x16180] =	vst v63  }
0x116: {  	_ =	swait.ge [sflag:s13], $0x4000  }
0x117: {  	[sflag:s13] =	ssyncset.done $0x0  }
0x118: {  	s4 =	rddreg [dreg:$0xa];
	[sflag:s13] =	ssyncadd.s32 $0xFFFFC000  }
0x119: {  	[hbm4b:s4+s2] =	stream.linear.scatter [tilespmem:s7], [sflag:$0x6], $0x4000, $0x38;
	[tilespmem:$0x16180] =	vst v63  }
0x11a: {  	_ = 	snop  }
0x11b: {  	[spmem:s1] =	stream.indirect.scatter.add.f32 [tilespmem:s25], [sflag:$0x8], $0x80, s2, s6, $0xb8;
	[tilespmem:$0x16180] =	vst v63  }
0x11c: {  	_ =	swait.ge [sflag:s26], $0x80  }
0x11d: {  	[sflag:s26] =	ssyncset.done $0x0  }
0x11e: {  	[sflag:s26] =	ssyncadd.s32 $0xFFFFFF80  }
0x11f: {  	_ =	swait.ge [sflag:s26], $0x4000  }
0x120: {  	[sflag:s26] =	ssyncset.done $0x0  }
0x121: {  	[sflag:s26] =	ssyncadd.s32 $0xFFFFC000  }
0x122: {  	[tilespmem:s22], [sflag:$0x5] =	stream.indirect.gather [hbm4b:s3+s6], $0x80, s6, s6, $0xb8;
	[tilespmem:$0x16180] =	vst v63  }
0x123: {  	s0 =	rddreg [dreg:$0xb]  }
0x124: {  	[tilespmem:s14], [sflag:$0x3] =	stream.linear.gather [hbm4b:s0+s2], $0x80, $0x38;
	[tilespmem:$0x16180] =	vst v63  }
0x125: {  	s4 =	rddreg [dreg:$0xc]  }
0x126: {  	[tilespmem:s15], [sflag:$0x3] =	stream.linear.gather [hbm4b:s4+s2], $0x4000, $0x38;
	[tilespmem:$0x16180] =	vst v63  }
0x127: {  	_ =	swait.ge [sflag:s24], $0x4000  }
0x128: {  	[sflag:s24] =	ssyncset.done $0x0  }
0x129: {  	s4 =	rddreg [dreg:$0xd];
	[sflag:s24] =	ssyncadd.s32 $0xFFFFC000  }
0x12a: {  	[hbm4b:s4+s2] =	stream.linear.scatter [tilespmem:s22], [sflag:$0x7], $0x4000, $0x38;
	[tilespmem:$0x16180] =	vst v63  }
0x12b: {  	_ = 	snop  }
0x12c: {  	[spmem:s1] =	stream.indirect.scatter.add.f32 [tilespmem:s20], [sflag:$0x9], $0x80, s6, s6, $0xb8;
	[tilespmem:$0x16180] =	vst v63  }
0x12d: {  	_ =	swait.ge [sflag:s21], $0x80  }
0x12e: {  	[sflag:s21] =	ssyncset.done $0x0  }
0x12f: {  	[sflag:s21] =	ssyncadd.s32 $0xFFFFFF80  }
0x130: {  	_ =	swait.ge [sflag:s21], $0x4000  }
0x131: {  	[sflag:s21] =	ssyncset.done $0x0  }
0x132: {  	[sflag:s21] =	ssyncadd.s32 $0xFFFFC000  }
0x133: {  	_ =	swait.ge [sflag:s11], $0x4000  }
0x134: {  	[sflag:s11] =	ssyncset.done $0x0  }
0x135: {  	[sflag:s11] =	ssyncadd.s32 $0xFFFFC000  }
0x136: {  	[tilespmem:s7], [sflag:$0x4] =	stream.indirect.gather [hbm4b:s3+s6], $0x80, s14, s6, $0xb8;
	[tilespmem:$0x16180] =	vst v63  }
0x137: {  	_ =	swait.ge [sflag:s8], $0x4000  }
0x138: {  	[sflag:s8] =	ssyncset.done $0x0  }
0x139: {  	s0 =	rddreg [dreg:$0xe];
	[sflag:s8] =	ssyncadd.s32 $0xFFFFC000  }
0x13a: {  	[tilespmem:s2], [sflag:$0x1] =	stream.linear.gather [hbm4b:s0+s2], $0x80, $0x38;
	[tilespmem:$0x16180] =	vst v63  }
0x13b: {  	s4 =	rddreg [dreg:$0xf]  }
0x13c: {  	[tilespmem:s25], [sflag:$0x1] =	stream.linear.gather [hbm4b:s4+s2], $0x4000, $0x38;
	[tilespmem:$0x16180] =	vst v63  }
0x13d: {  	_ =	swait.ge [sflag:s13], $0x4000  }
0x13e: {  	[sflag:s13] =	ssyncset.done $0x0  }
0x13f: {  	s4 =	rddreg [dreg:$0x10];
	[sflag:s13] =	ssyncadd.s32 $0xFFFFC000  }
0x140: {  	[hbm4b:s4+s2] =	stream.linear.scatter [tilespmem:s7], [sflag:$0x6], $0x4000, $0x38;
	[tilespmem:$0x16180] =	vst v63  }
0x141: {  	_ = 	snop  }
0x142: {  	[spmem:s1] =	stream.indirect.scatter.add.f32 [tilespmem:s15], [sflag:$0xA], $0x80, s14, s6, $0xb8;
	[tilespmem:$0x16180] =	vst v63  }
0x143: {  	_ =	swait.ge [sflag:s28], $0x80  }
0x144: {  	[sflag:s28] =	ssyncset.done $0x0  }
0x145: {  	[sflag:s28] =	ssyncadd.s32 $0xFFFFFF80  }
0x146: {  	_ =	swait.ge [sflag:s28], $0x4000  }
0x147: {  	[sflag:s28] =	ssyncset.done $0x0  }
0x148: {  	[sflag:s28] =	ssyncadd.s32 $0xFFFFC000  }
0x149: {  	_ =	swait.ge [sflag:s17], $0x4000  }
0x14a: {  	[sflag:s17] =	ssyncset.done $0x0  }
0x14b: {  	[sflag:s17] =	ssyncadd.s32 $0xFFFFC000  }
0x14c: {  	[tilespmem:s22], [sflag:$0x5] =	stream.indirect.gather [hbm4b:s3+s6], $0x80, s2, s6, $0xb8;
	[tilespmem:$0x16180] =	vst v63  }
0x14d: {  	_ =	swait.ge [sflag:s12], $0x4000  }
0x14e: {  	[sflag:s12] =	ssyncset.done $0x0  }
0x14f: {  	s0 =	rddreg [dreg:$0x11];
	[sflag:s12] =	ssyncadd.s32 $0xFFFFC000  }
0x150: {  	[tilespmem:s6], [sflag:$0x2] =	stream.linear.gather [hbm4b:s0+s2], $0x80, $0x38;
	[tilespmem:$0x16180] =	vst v63  }
0x151: {  	s4 =	rddreg [dreg:$0x12]  }
0x152: {  	[tilespmem:s20], [sflag:$0x2] =	stream.linear.gather [hbm4b:s4+s2], $0x4000, $0x38;
	[tilespmem:$0x16180] =	vst v63  }
0x153: {  	_ =	swait.ge [sflag:s24], $0x4000  }
0x154: {  	[sflag:s24] =	ssyncset.done $0x0  }
0x155: {  	s4 =	rddreg [dreg:$0x13];
	[sflag:s24] =	ssyncadd.s32 $0xFFFFC000  }
0x156: {  	[hbm4b:s4+s2] =	stream.linear.scatter [tilespmem:s22], [sflag:$0x7], $0x4000, $0x38;
	[tilespmem:$0x16180] =	vst v63  }
0x157: {  	_ = 	snop  }
0x158: {  	[spmem:s1] =	stream.indirect.scatter.add.f32 [tilespmem:s25], [sflag:$0x8], $0x80, s2, s6, $0xb8;
	[tilespmem:$0x16180] =	vst v63  }
0x159: {  	_ =	swait.ge [sflag:s26], $0x80  }
0x15a: {  	[sflag:s26] =	ssyncset.done $0x0  }
0x15b: {  	[sflag:s26] =	ssyncadd.s32 $0xFFFFFF80  }
0x15c: {  	_ =	swait.ge [sflag:s26], $0x4000  }
0x15d: {  	[sflag:s26] =	ssyncset.done $0x0  }
0x15e: {  	[sflag:s26] =	ssyncadd.s32 $0xFFFFC000  }
0x15f: {  	_ =	swait.ge [sflag:s11], $0x4000  }
0x160: {  	[sflag:s11] =	ssyncset.done $0x0  }
0x161: {  	[sflag:s11] =	ssyncadd.s32 $0xFFFFC000  }
0x162: {  	[tilespmem:s7], [sflag:$0x4] =	stream.indirect.gather [hbm4b:s3+s6], $0x80, s6, s6, $0xb8;
	[tilespmem:$0x16180] =	vst v63  }
0x163: {  	_ =	swait.ge [sflag:s9], $0x4000  }
0x164: {  	[sflag:s9] =	ssyncset.done $0x0  }
0x165: {  	s0 =	rddreg [dreg:$0x14];
	[sflag:s9] =	ssyncadd.s32 $0xFFFFC000  }
0x166: {  	[tilespmem:s14], [sflag:$0x3] =	stream.linear.gather [hbm4b:s0+s2], $0x80, $0x38;
	[tilespmem:$0x16180] =	vst v63  }
0x167: {  	s4 =	rddreg [dreg:$0x15]  }
0x168: {  	[tilespmem:s15], [sflag:$0x3] =	stream.linear.gather [hbm4b:s4+s2], $0x4000, $0x38;
	[tilespmem:$0x16180] =	vst v63  }
0x169: {  	_ =	swait.ge [sflag:s13], $0x4000  }
0x16a: {  	[sflag:s13] =	ssyncset.done $0x0  }
0x16b: {  	s4 =	rddreg [dreg:$0x16];
	[sflag:s13] =	ssyncadd.s32 $0xFFFFC000  }
0x16c: {  	[hbm4b:s4+s2] =	stream.linear.scatter [tilespmem:s7], [sflag:$0x6], $0x4000, $0x38;
	[tilespmem:$0x16180] =	vst v63  }
0x16d: {  	_ = 	snop  }
0x16e: {  	[spmem:s1] =	stream.indirect.scatter.add.f32 [tilespmem:s20], [sflag:$0x9], $0x80, s6, s6, $0xb8;
	[tilespmem:$0x16180] =	vst v63  }
0x16f: {  	_ =	swait.ge [sflag:s21], $0x80  }
0x170: {  	[sflag:s21] =	ssyncset.done $0x0  }
0x171: {  	[sflag:s21] =	ssyncadd.s32 $0xFFFFFF80  }
0x172: {  	_ =	swait.ge [sflag:s21], $0x4000  }
0x173: {  	[sflag:s21] =	ssyncset.done $0x0  }
0x174: {  	[sflag:s21] =	ssyncadd.s32 $0xFFFFC000  }
0x175: {  	_ =	swait.ge [sflag:s17], $0x4000  }
0x176: {  	[sflag:s17] =	ssyncset.done $0x0  }
0x177: {  	[sflag:s17] =	ssyncadd.s32 $0xFFFFC000  }
0x178: {  	[tilespmem:s22], [sflag:$0x5] =	stream.indirect.gather [hbm4b:s3+s6], $0x80, s14, s6, $0xb8;
	[tilespmem:$0x16180] =	vst v63  }
0x179: {  	_ =	swait.ge [sflag:s8], $0x4000  }
0x17a: {  	[sflag:s8] =	ssyncset.done $0x0  }
0x17b: {  	s0 =	rddreg [dreg:$0x17];
	[sflag:s8] =	ssyncadd.s32 $0xFFFFC000  }
0x17c: {  	[tilespmem:s2], [sflag:$0x1] =	stream.linear.gather [hbm4b:s0+s2], $0x80, $0x38;
	[tilespmem:$0x16180] =	vst v63  }
0x17d: {  	s4 =	rddreg [dreg:$0x18]  }
0x17e: {  	[tilespmem:s25], [sflag:$0x1] =	stream.linear.gather [hbm4b:s4+s2], $0x4000, $0x38;
	[tilespmem:$0x16180] =	vst v63  }
0x17f: {  	_ =	swait.ge [sflag:s24], $0x4000  }
0x180: {  	[sflag:s24] =	ssyncset.done $0x0  }
0x181: {  	s4 =	rddreg [dreg:$0x19];
	[sflag:s24] =	ssyncadd.s32 $0xFFFFC000  }
0x182: {  	[hbm4b:s4+s2] =	stream.linear.scatter [tilespmem:s22], [sflag:$0x7], $0x4000, $0x38;
	[tilespmem:$0x16180] =	vst v63  }
0x183: {  	_ = 	snop  }
0x184: {  	[spmem:s1] =	stream.indirect.scatter.add.f32 [tilespmem:s15], [sflag:$0xA], $0x80, s14, s6, $0xb8;
	[tilespmem:$0x16180] =	vst v63  }
0x185: {  	_ =	swait.ge [sflag:s28], $0x80  }
0x186: {  	[sflag:s28] =	ssyncset.done $0x0  }
0x187: {  	[sflag:s28] =	ssyncadd.s32 $0xFFFFFF80  }
0x188: {  	_ =	swait.ge [sflag:s28], $0x4000  }
0x189: {  	[sflag:s28] =	ssyncset.done $0x0  }
0x18a: {  	[sflag:s28] =	ssyncadd.s32 $0xFFFFC000  }
0x18b: {  	_ =	swait.ge [sflag:s11], $0x4000  }
0x18c: {  	[sflag:s11] =	ssyncset.done $0x0  }
0x18d: {  	[sflag:s11] =	ssyncadd.s32 $0xFFFFC000  }
0x18e: {  	[tilespmem:s7], [sflag:$0x4] =	stream.indirect.gather [hbm4b:s3+s6], $0x80, s2, s6, $0xb8;
	[tilespmem:$0x16180] =	vst v63  }
0x18f: {  	_ =	swait.ge [sflag:s12], $0x4000  }
0x190: {  	[sflag:s12] =	ssyncset.done $0x0  }
0x191: {  	s0 =	rddreg [dreg:$0x1a];
	[sflag:s12] =	ssyncadd.s32 $0xFFFFC000  }
0x192: {  	[tilespmem:s6], [sflag:$0x2] =	stream.linear.gather [hbm4b:s0+s2], $0x80, $0x38;
	[tilespmem:$0x16180] =	vst v63  }
0x193: {  	s4 =	rddreg [dreg:$0x1b]  }
0x194: {  	[tilespmem:s20], [sflag:$0x2] =	stream.linear.gather [hbm4b:s4+s2], $0x4000, $0x38;
	[tilespmem:$0x16180] =	vst v63  }
0x195: {  	_ =	swait.ge [sflag:s13], $0x4000  }
0x196: {  	[sflag:s13] =	ssyncset.done $0x0  }
0x197: {  	s0 =	rddreg [dreg:$0x1c];
	[sflag:s13] =	ssyncadd.s32 $0xFFFFC000  }
0x198: {  	[hbm4b:s0+s2] =	stream.linear.scatter [tilespmem:s7], [sflag:$0x6], $0x4000, $0x38;
	[tilespmem:$0x16180] =	vst v63  }
0x199: {  	_ = 	snop  }
0x19a: {  	[spmem:s1] =	stream.indirect.scatter.add.f32 [tilespmem:s25], [sflag:$0x8], $0x80, s2, s6, $0xb8;
	[tilespmem:$0x16180] =	vst v63  }
0x19b: {  	_ =	swait.ge [sflag:s26], $0x80  }
0x19c: {  	[sflag:s26] =	ssyncset.done $0x0  }
0x19d: {  	[sflag:s26] =	ssyncadd.s32 $0xFFFFFF80  }
0x19e: {  	_ =	swait.ge [sflag:s26], $0x4000  }
0x19f: {  	[sflag:s26] =	ssyncset.done $0x0  }
0x1a0: {  	[sflag:s26] =	ssyncadd.s32 $0xFFFFC000  }
0x1a1: {  	_ =	swait.ge [sflag:s17], $0x4000  }
0x1a2: {  	[sflag:s17] =	ssyncset.done $0x0  }
0x1a3: {  	[sflag:s17] =	ssyncadd.s32 $0xFFFFC000  }
0x1a4: {  	[tilespmem:s22], [sflag:$0x5] =	stream.indirect.gather [hbm4b:s3+s6], $0x80, s6, s6, $0xb8;
	[tilespmem:$0x16180] =	vst v63  }
0x1a5: {  	_ =	swait.ge [sflag:s9], $0x4000  }
0x1a6: {  	[sflag:s9] =	ssyncset.done $0x0  }
0x1a7: {  	[sflag:s9] =	ssyncadd.s32 $0xFFFFC000  }
0x1a8: {  	[tilespmem:s14], [sflag:$0x3] =	stream.linear.gather [hbm4b:s19+s2], $0x80, $0x38;
	[tilespmem:$0x16180] =	vst v63  }
0x1a9: {  	_ = 	snop  }
0x1aa: {  	[tilespmem:s15], [sflag:$0x3] =	stream.linear.gather [hbm4b:s23+s2], $0x4000, $0x38;
	[tilespmem:$0x16180] =	vst v63  }
0x1ab: {  	_ =	swait.ge [sflag:s24], $0x4000  }
0x1ac: {  	[sflag:s24] =	ssyncset.done $0x0  }
0x1ad: {  	[sflag:s24] =	ssyncadd.s32 $0xFFFFC000  }
0x1ae: {  	[hbm4b:s18+s2] =	stream.linear.scatter [tilespmem:s22], [sflag:$0x7], $0x4000, $0x38;
	[tilespmem:$0x16180] =	vst v63  }
0x1af: {  	_ = 	snop  }
0x1b0: {  	[spmem:s1] =	stream.indirect.scatter.add.f32 [tilespmem:s20], [sflag:$0x9], $0x80, s6, s6, $0xb8;
	[tilespmem:$0x16180] =	vst v63  }
0x1b1: {  	_ =	swait.ge [sflag:s21], $0x80  }
0x1b2: {  	[sflag:s21] =	ssyncset.done $0x0  }
0x1b3: {  	[sflag:s21] =	ssyncadd.s32 $0xFFFFFF80  }
0x1b4: {  	_ =	swait.ge [sflag:s21], $0x4000  }
0x1b5: {  	[sflag:s21] =	ssyncset.done $0x0  }
0x1b6: {  	[sflag:s21] =	ssyncadd.s32 $0xFFFFC000  }
0x1b7: {  	_ =	swait.ge [sflag:s11], $0x4000  }
0x1b8: {  	[sflag:s11] =	ssyncset.done $0x0  }
0x1b9: {  	[sflag:s11] =	ssyncadd.s32 $0xFFFFC000  }
0x1ba: {  	[tilespmem:s7], [sflag:$0x4] =	stream.indirect.gather [hbm4b:s3+s6], $0x80, s14, s6, $0xb8;
	[tilespmem:$0x16180] =	vst v63  }
0x1bb: {  	_ =	swait.ge [sflag:s13], $0x4000  }
0x1bc: {  	[sflag:s13] =	ssyncset.done $0x0  }
0x1bd: {  	[sflag:s13] =	ssyncadd.s32 $0xFFFFC000  }
0x1be: {  	[hbm4b:s16+s2] =	stream.linear.scatter [tilespmem:s7], [sflag:$0x6], $0x4000, $0x38;
	[tilespmem:$0x16180] =	vst v63  }
0x1bf: {  	_ = 	snop  }
0x1c0: {  	[spmem:s1] =	stream.indirect.scatter.add.f32 [tilespmem:s15], [sflag:$0xA], $0x80, s14, s6, $0xb8;
	[tilespmem:$0x16180] =	vst v63  }
0x1c1: {  	_ =	swait.ge [sflag:s17], $0x4000  }
0x1c2: {  	[sflag:s17] =	ssyncset.done $0x0  }
0x1c3: {  	[sflag:s17] =	ssyncadd.s32 $0xFFFFC000  }
0x1c4: {  	_ =	swait.ge [sflag:s11], $0x4000  }
0x1c5: {  	[sflag:s11] =	ssyncset.done $0x0  }
0x1c6: {  	[sflag:s11] =	ssyncadd.s32 $0xFFFFC000  }
0x1c7: {  	_ =	swait.ge [sflag:s8], $0x4000  }
0x1c8: {  	[sflag:s8] =	ssyncset.done $0x0  }
0x1c9: {  	[sflag:s8] =	ssyncadd.s32 $0xFFFFC000  }
0x1ca: {  	_ =	swait.ge [sflag:s12], $0x4000  }
0x1cb: {  	[sflag:s12] =	ssyncset.done $0x0  }
0x1cc: {  	[sflag:s12] =	ssyncadd.s32 $0xFFFFC000  }
0x1cd: {  	s31 =	sadd.s32 $0xFFFFFFFF, s31;
	_ =	swait.ge [sflag:s9], $0x4000  }
0x1ce: {  	p2 =	sne.s32 s31, $0x0;
	[sflag:s9] =	ssyncset.done $0x0  }
.Ltmp2:
0x1cf: {  	[sflag:s9] =	ssyncadd.s32 $0xFFFFC000;
	(pc) =	sbr.rel @p2 .LBB2_4-.Ltmp2, $4  }
0x1d0: {  	[bflag:$0x0] =	sbarrier.arrive $0xFFFF  }
0x1d1: {  	[hbm:s5], [sflag:s30] =	dma.local @!p0 [spmem:s10], $0x4000  }
0x1d2: {  	_ =	swait.ge @!p0 [sflag:s29], $0x4000  }
0x1d3: {  	s4 =	smov.u32 s5;
	s0 =	rddreg [dreg:$0x5];
	[sflag:s29] =	ssyncset.done @!p0 $0x0  }
0x1d4: {  	s30 =	rddreg [dreg:$0x1c]  }
0x1d5: {  	s31 =	rddreg [dreg:$0x4]  }
.LBB2_6:
0x1d6: {  	p1 =	por p0, !p1  }
0x1d7: {  	s4 =	simm.s32 @!p0 $0x1C0B;
	[sflag:s29] =	ssyncadd.s32 @!p1 $0xFFFFC000;
	s29 =	simm.s32 @!p0 $0xB  }
0x1d8: {  	[spmem:s10], [sflag:s4] =	dma.local @!p0 [hbm:s0], $0x4000  }
0x1d9: {  	_ =	swait.ge @!p0 [sflag:s29], $0x4000  }
0x1da: {  	[sflag:s29] =	ssyncset.done @!p0 $0x0  }
0x1db: {  	[sflag:s29] =	ssyncadd.s32 @!p0 $0xFFFFC000  }
0x1dc: {  	[bflag:$0x0] =	sbarrier.arrive $0xFFFF  }
0x1dd: {  	s0 =	rddreg [dreg:$0x6]  }
0x1de: {  	[tilespmem:s2], [sflag:$0x1] =	stream.linear.gather [hbm4b:s0+s2], $0x80, $0x38;
	[tilespmem:$0x16180] =	vst v63  }
0x1df: {  	s4 =	rddreg [dreg:$0x7]  }
0x1e0: {  	[tilespmem:s25], [sflag:$0x1] =	stream.linear.gather [hbm4b:s4+s2], $0x4000, $0x38;
	[tilespmem:$0x16180] =	vst v63  }
0x1e1: {  	_ =	swait.ge [sflag:s28], $0x80  }
0x1e2: {  	[sflag:s28] =	ssyncset.done $0x0  }
0x1e3: {  	[sflag:s28] =	ssyncadd.s32 $0xFFFFFF80  }
0x1e4: {  	_ =	swait.ge [sflag:s28], $0x4000  }
0x1e5: {  	[sflag:s28] =	ssyncset.done $0x0  }
0x1e6: {  	[sflag:s28] =	ssyncadd.s32 $0xFFFFC000  }
0x1e7: {  	[tilespmem:s7], [sflag:$0x4] =	stream.indirect.gather [hbm4b:s3+s6], $0x80, s2, s6, $0xb8;
	[tilespmem:$0x16180] =	vst v63  }
0x1e8: {  	s0 =	rddreg [dreg:$0x8]  }
0x1e9: {  	[tilespmem:s6], [sflag:$0x2] =	stream.linear.gather [hbm4b:s0+s2], $0x80, $0x38;
	[tilespmem:$0x16180] =	vst v63  }
0x1ea: {  	s4 =	rddreg [dreg:$0x9]  }
0x1eb: {  	[tilespmem:s20], [sflag:$0x2] =	stream.linear.gather [hbm4b:s4+s2], $0x4000, $0x38;
	[tilespmem:$0x16180] =	vst v63  }
0x1ec: {  	_ =	swait.ge [sflag:s13], $0x4000  }
0x1ed: {  	[sflag:s13] =	ssyncset.done $0x0  }
0x1ee: {  	s4 =	rddreg [dreg:$0xa];
	[sflag:s13] =	ssyncadd.s32 $0xFFFFC000  }
0x1ef: {  	[hbm4b:s4+s2] =	stream.linear.scatter [tilespmem:s7], [sflag:$0x6], $0x4000, $0x38;
	[tilespmem:$0x16180] =	vst v63  }
0x1f0: {  	_ = 	snop  }
0x1f1: {  	[spmem:s1] =	stream.indirect.scatter.add.f32 [tilespmem:s25], [sflag:$0x8], $0x80, s2, s6, $0xb8;
	[tilespmem:$0x16180] =	vst v63  }
0x1f2: {  	_ =	swait.ge [sflag:s26], $0x80  }
0x1f3: {  	[sflag:s26] =	ssyncset.done $0x0  }
0x1f4: {  	[sflag:s26] =	ssyncadd.s32 $0xFFFFFF80  }
0x1f5: {  	_ =	swait.ge [sflag:s26], $0x4000  }
0x1f6: {  	[sflag:s26] =	ssyncset.done $0x0  }
0x1f7: {  	[sflag:s26] =	ssyncadd.s32 $0xFFFFC000  }
0x1f8: {  	[tilespmem:s22], [sflag:$0x5] =	stream.indirect.gather [hbm4b:s3+s6], $0x80, s6, s6, $0xb8;
	[tilespmem:$0x16180] =	vst v63  }
0x1f9: {  	s0 =	rddreg [dreg:$0xb]  }
0x1fa: {  	[tilespmem:s14], [sflag:$0x3] =	stream.linear.gather [hbm4b:s0+s2], $0x80, $0x38;
	[tilespmem:$0x16180] =	vst v63  }
0x1fb: {  	s4 =	rddreg [dreg:$0xc]  }
0x1fc: {  	[tilespmem:s15], [sflag:$0x3] =	stream.linear.gather [hbm4b:s4+s2], $0x4000, $0x38;
	[tilespmem:$0x16180] =	vst v63  }
0x1fd: {  	_ =	swait.ge [sflag:s24], $0x4000  }
0x1fe: {  	[sflag:s24] =	ssyncset.done $0x0  }
0x1ff: {  	s4 =	rddreg [dreg:$0xd];
	[sflag:s24] =	ssyncadd.s32 $0xFFFFC000  }
0x200: {  	[hbm4b:s4+s2] =	stream.linear.scatter [tilespmem:s22], [sflag:$0x7], $0x4000, $0x38;
	[tilespmem:$0x16180] =	vst v63  }
0x201: {  	_ = 	snop  }
0x202: {  	[spmem:s1] =	stream.indirect.scatter.add.f32 [tilespmem:s20], [sflag:$0x9], $0x80, s6, s6, $0xb8;
	[tilespmem:$0x16180] =	vst v63  }
0x203: {  	_ =	swait.ge [sflag:s21], $0x80  }
0x204: {  	[sflag:s21] =	ssyncset.done $0x0  }
0x205: {  	[sflag:s21] =	ssyncadd.s32 $0xFFFFFF80  }
0x206: {  	_ =	swait.ge [sflag:s21], $0x4000  }
0x207: {  	[sflag:s21] =	ssyncset.done $0x0  }
0x208: {  	[sflag:s21] =	ssyncadd.s32 $0xFFFFC000  }
0x209: {  	_ =	swait.ge [sflag:s11], $0x4000  }
0x20a: {  	[sflag:s11] =	ssyncset.done $0x0  }
0x20b: {  	[sflag:s11] =	ssyncadd.s32 $0xFFFFC000  }
0x20c: {  	[tilespmem:s7], [sflag:$0x4] =	stream.indirect.gather [hbm4b:s3+s6], $0x80, s14, s6, $0xb8;
	[tilespmem:$0x16180] =	vst v63  }
0x20d: {  	_ =	swait.ge [sflag:s8], $0x4000  }
0x20e: {  	[sflag:s8] =	ssyncset.done $0x0  }
0x20f: {  	s0 =	rddreg [dreg:$0xe];
	[sflag:s8] =	ssyncadd.s32 $0xFFFFC000  }
0x210: {  	[tilespmem:s2], [sflag:$0x1] =	stream.linear.gather [hbm4b:s0+s2], $0x80, $0x38;
	[tilespmem:$0x16180] =	vst v63  }
0x211: {  	s4 =	rddreg [dreg:$0xf]  }
0x212: {  	[tilespmem:s25], [sflag:$0x1] =	stream.linear.gather [hbm4b:s4+s2], $0x4000, $0x38;
	[tilespmem:$0x16180] =	vst v63  }
0x213: {  	_ =	swait.ge [sflag:s13], $0x4000  }
0x214: {  	[sflag:s13] =	ssyncset.done $0x0  }
0x215: {  	s4 =	rddreg [dreg:$0x10];
	[sflag:s13] =	ssyncadd.s32 $0xFFFFC000  }
0x216: {  	[hbm4b:s4+s2] =	stream.linear.scatter [tilespmem:s7], [sflag:$0x6], $0x4000, $0x38;
	[tilespmem:$0x16180] =	vst v63  }
0x217: {  	_ = 	snop  }
0x218: {  	[spmem:s1] =	stream.indirect.scatter.add.f32 [tilespmem:s15], [sflag:$0xA], $0x80, s14, s6, $0xb8;
	[tilespmem:$0x16180] =	vst v63  }
0x219: {  	_ =	swait.ge [sflag:s28], $0x80  }
0x21a: {  	[sflag:s28] =	ssyncset.done $0x0  }
0x21b: {  	[sflag:s28] =	ssyncadd.s32 $0xFFFFFF80  }
0x21c: {  	_ =	swait.ge [sflag:s28], $0x4000  }
0x21d: {  	[sflag:s28] =	ssyncset.done $0x0  }
0x21e: {  	[sflag:s28] =	ssyncadd.s32 $0xFFFFC000  }
0x21f: {  	_ =	swait.ge [sflag:s17], $0x4000  }
0x220: {  	[sflag:s17] =	ssyncset.done $0x0  }
0x221: {  	[sflag:s17] =	ssyncadd.s32 $0xFFFFC000  }
0x222: {  	[tilespmem:s22], [sflag:$0x5] =	stream.indirect.gather [hbm4b:s3+s6], $0x80, s2, s6, $0xb8;
	[tilespmem:$0x16180] =	vst v63  }
0x223: {  	_ =	swait.ge [sflag:s12], $0x4000  }
0x224: {  	[sflag:s12] =	ssyncset.done $0x0  }
0x225: {  	s0 =	rddreg [dreg:$0x11];
	[sflag:s12] =	ssyncadd.s32 $0xFFFFC000  }
0x226: {  	[tilespmem:s6], [sflag:$0x2] =	stream.linear.gather [hbm4b:s0+s2], $0x80, $0x38;
	[tilespmem:$0x16180] =	vst v63  }
0x227: {  	s4 =	rddreg [dreg:$0x12]  }
0x228: {  	[tilespmem:s20], [sflag:$0x2] =	stream.linear.gather [hbm4b:s4+s2], $0x4000, $0x38;
	[tilespmem:$0x16180] =	vst v63  }
0x229: {  	_ =	swait.ge [sflag:s24], $0x4000  }
0x22a: {  	[sflag:s24] =	ssyncset.done $0x0  }
0x22b: {  	s4 =	rddreg [dreg:$0x13];
	[sflag:s24] =	ssyncadd.s32 $0xFFFFC000  }
0x22c: {  	[hbm4b:s4+s2] =	stream.linear.scatter [tilespmem:s22], [sflag:$0x7], $0x4000, $0x38;
	[tilespmem:$0x16180] =	vst v63  }
0x22d: {  	_ = 	snop  }
0x22e: {  	[spmem:s1] =	stream.indirect.scatter.add.f32 [tilespmem:s25], [sflag:$0x8], $0x80, s2, s6, $0xb8;
	[tilespmem:$0x16180] =	vst v63  }
0x22f: {  	_ =	swait.ge [sflag:s26], $0x80  }
0x230: {  	[sflag:s26] =	ssyncset.done $0x0  }
0x231: {  	[sflag:s26] =	ssyncadd.s32 $0xFFFFFF80  }
0x232: {  	_ =	swait.ge [sflag:s26], $0x4000  }
0x233: {  	[sflag:s26] =	ssyncset.done $0x0  }
0x234: {  	[sflag:s26] =	ssyncadd.s32 $0xFFFFC000  }
0x235: {  	_ =	swait.ge [sflag:s11], $0x4000  }
0x236: {  	[sflag:s11] =	ssyncset.done $0x0  }
0x237: {  	[sflag:s11] =	ssyncadd.s32 $0xFFFFC000  }
0x238: {  	[tilespmem:s7], [sflag:$0x4] =	stream.indirect.gather [hbm4b:s3+s6], $0x80, s6, s6, $0xb8;
	[tilespmem:$0x16180] =	vst v63  }
0x239: {  	_ =	swait.ge [sflag:s9], $0x4000  }
0x23a: {  	[sflag:s9] =	ssyncset.done $0x0  }
0x23b: {  	s0 =	rddreg [dreg:$0x14];
	[sflag:s9] =	ssyncadd.s32 $0xFFFFC000  }
0x23c: {  	[tilespmem:s14], [sflag:$0x3] =	stream.linear.gather [hbm4b:s0+s2], $0x80, $0x38;
	[tilespmem:$0x16180] =	vst v63  }
0x23d: {  	s4 =	rddreg [dreg:$0x15]  }
0x23e: {  	[tilespmem:s15], [sflag:$0x3] =	stream.linear.gather [hbm4b:s4+s2], $0x4000, $0x38;
	[tilespmem:$0x16180] =	vst v63  }
0x23f: {  	_ =	swait.ge [sflag:s13], $0x4000  }
0x240: {  	[sflag:s13] =	ssyncset.done $0x0  }
0x241: {  	s4 =	rddreg [dreg:$0x16];
	[sflag:s13] =	ssyncadd.s32 $0xFFFFC000  }
0x242: {  	[hbm4b:s4+s2] =	stream.linear.scatter [tilespmem:s7], [sflag:$0x6], $0x4000, $0x38;
	[tilespmem:$0x16180] =	vst v63  }
0x243: {  	_ = 	snop  }
0x244: {  	[spmem:s1] =	stream.indirect.scatter.add.f32 [tilespmem:s20], [sflag:$0x9], $0x80, s6, s6, $0xb8;
	[tilespmem:$0x16180] =	vst v63  }
0x245: {  	_ =	swait.ge [sflag:s21], $0x80  }
0x246: {  	[sflag:s21] =	ssyncset.done $0x0  }
0x247: {  	[sflag:s21] =	ssyncadd.s32 $0xFFFFFF80  }
0x248: {  	_ =	swait.ge [sflag:s21], $0x4000  }
0x249: {  	[sflag:s21] =	ssyncset.done $0x0  }
0x24a: {  	[sflag:s21] =	ssyncadd.s32 $0xFFFFC000  }
0x24b: {  	_ =	swait.ge [sflag:s17], $0x4000  }
0x24c: {  	[sflag:s17] =	ssyncset.done $0x0  }
0x24d: {  	[sflag:s17] =	ssyncadd.s32 $0xFFFFC000  }
0x24e: {  	[tilespmem:s22], [sflag:$0x5] =	stream.indirect.gather [hbm4b:s3+s6], $0x80, s14, s6, $0xb8;
	[tilespmem:$0x16180] =	vst v63  }
0x24f: {  	_ =	swait.ge [sflag:s8], $0x4000  }
0x250: {  	[sflag:s8] =	ssyncset.done $0x0  }
0x251: {  	s0 =	rddreg [dreg:$0x17];
	[sflag:s8] =	ssyncadd.s32 $0xFFFFC000  }
0x252: {  	[tilespmem:s2], [sflag:$0x1] =	stream.linear.gather [hbm4b:s0+s2], $0x80, $0x38;
	[tilespmem:$0x16180] =	vst v63  }
0x253: {  	s4 =	rddreg [dreg:$0x18]  }
0x254: {  	[tilespmem:s25], [sflag:$0x1] =	stream.linear.gather [hbm4b:s4+s2], $0x4000, $0x38;
	[tilespmem:$0x16180] =	vst v63  }
0x255: {  	_ =	swait.ge [sflag:s24], $0x4000  }
0x256: {  	[sflag:s24] =	ssyncset.done $0x0  }
0x257: {  	s4 =	rddreg [dreg:$0x19];
	[sflag:s24] =	ssyncadd.s32 $0xFFFFC000  }
0x258: {  	[hbm4b:s4+s2] =	stream.linear.scatter [tilespmem:s22], [sflag:$0x7], $0x4000, $0x38;
	[tilespmem:$0x16180] =	vst v63  }
0x259: {  	_ = 	snop  }
0x25a: {  	[spmem:s1] =	stream.indirect.scatter.add.f32 [tilespmem:s15], [sflag:$0xA], $0x80, s14, s6, $0xb8;
	[tilespmem:$0x16180] =	vst v63  }
0x25b: {  	_ =	swait.ge [sflag:s28], $0x80  }
0x25c: {  	[sflag:s28] =	ssyncset.done $0x0  }
0x25d: {  	[sflag:s28] =	ssyncadd.s32 $0xFFFFFF80  }
0x25e: {  	_ =	swait.ge [sflag:s28], $0x4000  }
0x25f: {  	[sflag:s28] =	ssyncset.done $0x0  }
0x260: {  	[sflag:s28] =	ssyncadd.s32 $0xFFFFC000  }
0x261: {  	_ =	swait.ge [sflag:s11], $0x4000  }
0x262: {  	[sflag:s11] =	ssyncset.done $0x0  }
0x263: {  	[sflag:s11] =	ssyncadd.s32 $0xFFFFC000  }
0x264: {  	[tilespmem:s7], [sflag:$0x4] =	stream.indirect.gather [hbm4b:s3+s6], $0x80, s2, s6, $0xb8;
	[tilespmem:$0x16180] =	vst v63  }
0x265: {  	_ =	swait.ge [sflag:s12], $0x4000  }
0x266: {  	[sflag:s12] =	ssyncset.done $0x0  }
0x267: {  	s4 =	rddreg [dreg:$0x1a];
	[sflag:s12] =	ssyncadd.s32 $0xFFFFC000  }
0x268: {  	[tilespmem:s6], [sflag:$0x2] =	stream.linear.gather [hbm4b:s4+s2], $0x80, $0x38;
	[tilespmem:$0x16180] =	vst v63  }
0x269: {  	s28 =	rddreg [dreg:$0x1b]  }
0x26a: {  	[tilespmem:s20], [sflag:$0x2] =	stream.linear.gather [hbm4b:s28+s2], $0x4000, $0x38;
	[tilespmem:$0x16180] =	vst v63  }
0x26b: {  	_ =	swait.ge [sflag:s13], $0x4000  }
0x26c: {  	[sflag:s13] =	ssyncset.done $0x0  }
0x26d: {  	[sflag:s13] =	ssyncadd.s32 $0xFFFFC000  }
0x26e: {  	[hbm4b:s30+s2] =	stream.linear.scatter [tilespmem:s7], [sflag:$0x6], $0x4000, $0x38;
	[tilespmem:$0x16180] =	vst v63  }
0x26f: {  	_ = 	snop  }
0x270: {  	[spmem:s1] =	stream.indirect.scatter.add.f32 [tilespmem:s25], [sflag:$0x8], $0x80, s2, s6, $0xb8;
	[tilespmem:$0x16180] =	vst v63  }
0x271: {  	_ =	swait.ge [sflag:s26], $0x80  }
0x272: {  	[sflag:s26] =	ssyncset.done $0x0  }
0x273: {  	[sflag:s26] =	ssyncadd.s32 $0xFFFFFF80  }
0x274: {  	_ =	swait.ge [sflag:s26], $0x4000  }
0x275: {  	[sflag:s26] =	ssyncset.done $0x0  }
0x276: {  	[sflag:s26] =	ssyncadd.s32 $0xFFFFC000  }
0x277: {  	_ =	swait.ge [sflag:s17], $0x4000  }
0x278: {  	[sflag:s17] =	ssyncset.done $0x0  }
0x279: {  	[sflag:s17] =	ssyncadd.s32 $0xFFFFC000  }
0x27a: {  	[tilespmem:s22], [sflag:$0x5] =	stream.indirect.gather [hbm4b:s3+s6], $0x80, s6, s6, $0xb8;
	[tilespmem:$0x16180] =	vst v63  }
0x27b: {  	_ =	swait.ge [sflag:s9], $0x4000  }
0x27c: {  	[sflag:s9] =	ssyncset.done $0x0  }
0x27d: {  	[sflag:s9] =	ssyncadd.s32 $0xFFFFC000  }
0x27e: {  	[tilespmem:s14], [sflag:$0x3] =	stream.linear.gather [hbm4b:s19+s2], $0x80, $0x38;
	[tilespmem:$0x16180] =	vst v63  }
0x27f: {  	_ = 	snop  }
0x280: {  	[tilespmem:s15], [sflag:$0x3] =	stream.linear.gather [hbm4b:s23+s2], $0x4000, $0x38;
	[tilespmem:$0x16180] =	vst v63  }
0x281: {  	_ =	swait.ge [sflag:s24], $0x4000  }
0x282: {  	[sflag:s24] =	ssyncset.done $0x0  }
0x283: {  	[sflag:s24] =	ssyncadd.s32 $0xFFFFC000  }
0x284: {  	[hbm4b:s18+s2] =	stream.linear.scatter [tilespmem:s22], [sflag:$0x7], $0x4000, $0x38;
	[tilespmem:$0x16180] =	vst v63  }
0x285: {  	_ = 	snop  }
0x286: {  	[spmem:s1] =	stream.indirect.scatter.add.f32 [tilespmem:s20], [sflag:$0x9], $0x80, s6, s6, $0xb8;
	[tilespmem:$0x16180] =	vst v63  }
0x287: {  	_ =	swait.ge [sflag:s21], $0x80  }
0x288: {  	[sflag:s21] =	ssyncset.done $0x0  }
0x289: {  	[sflag:s21] =	ssyncadd.s32 $0xFFFFFF80  }
0x28a: {  	_ =	swait.ge [sflag:s21], $0x4000  }
0x28b: {  	[sflag:s21] =	ssyncset.done $0x0  }
0x28c: {  	[sflag:s21] =	ssyncadd.s32 $0xFFFFC000  }
0x28d: {  	_ =	swait.ge [sflag:s11], $0x4000  }
0x28e: {  	[sflag:s11] =	ssyncset.done $0x0  }
0x28f: {  	[sflag:s11] =	ssyncadd.s32 $0xFFFFC000  }
0x290: {  	[tilespmem:s7], [sflag:$0x4] =	stream.indirect.gather [hbm4b:s3+s6], $0x80, s14, s6, $0xb8;
	[tilespmem:$0x16180] =	vst v63  }
0x291: {  	_ =	swait.ge [sflag:s13], $0x4000  }
0x292: {  	[sflag:s13] =	ssyncset.done $0x0  }
0x293: {  	[sflag:s13] =	ssyncadd.s32 $0xFFFFC000  }
0x294: {  	[hbm4b:s16+s2] =	stream.linear.scatter [tilespmem:s7], [sflag:$0x6], $0x4000, $0x38;
	[tilespmem:$0x16180] =	vst v63  }
0x295: {  	_ = 	snop  }
0x296: {  	[spmem:s1] =	stream.indirect.scatter.add.f32 [tilespmem:s15], [sflag:$0xA], $0x80, s14, s6, $0xb8;
	[tilespmem:$0x16180] =	vst v63  }
0x297: {  	_ =	swait.ge [sflag:s17], $0x4000  }
0x298: {  	[sflag:s17] =	ssyncset.done $0x0  }
0x299: {  	[sflag:s17] =	ssyncadd.s32 $0xFFFFC000  }
0x29a: {  	_ =	swait.ge [sflag:s11], $0x4000  }
0x29b: {  	[sflag:s11] =	ssyncset.done $0x0  }
0x29c: {  	[sflag:s11] =	ssyncadd.s32 $0xFFFFC000  }
0x29d: {  	_ =	swait.ge [sflag:s8], $0x4000  }
0x29e: {  	[sflag:s8] =	ssyncset.done $0x0  }
0x29f: {  	[sflag:s8] =	ssyncadd.s32 $0xFFFFC000  }
0x2a0: {  	_ =	swait.ge [sflag:s12], $0x4000  }
0x2a1: {  	[sflag:s12] =	ssyncset.done $0x0  }
0x2a2: {  	[sflag:s12] =	ssyncadd.s32 $0xFFFFC000  }
0x2a3: {  	_ =	swait.ge [sflag:s9], $0x4000  }
0x2a4: {  	[sflag:s9] =	ssyncset.done $0x0  }
0x2a5: {  	[sflag:s9] =	ssyncadd.s32 $0xFFFFC000  }
0x2a6: {  	s0 =	simm.s32 @!p0 $0x1C0B;
	[bflag:$0x0] =	sbarrier.arrive $0xFFFF  }
0x2a7: {  	[hbm:s5], [sflag:s0] =	dma.local @!p0 [spmem:s10], $0x4000  }
0x2a8: {  	_ =	swait.ge @!p0 [sflag:s29], $0x4000  }
0x2a9: {  	[sflag:s29] =	ssyncset.done @!p0 $0x0  }
0x2aa: {  	[sflag:s29] =	ssyncadd.s32 @!p0 $0xFFFFC000  }
0x2ab: {  	_ =	sfence.sel $0x180000  }
0x2ac: {  	[bflag:$0x0] =	sbarrier.arrive $0xFFFF  }
0x2ad: {  	_ =	strace $0x90000047  }
0x2ae: {  	s0 =	sadd.s32 @!p0 $0x100000, s31;
	[bflag:$0x2] =	sbarrier.arrive $0xFFFF  }
0x2af: {  	[sflag:s0] =	ssyncadd.tile.s32 @!p0 $0x1;
	_ =	shalt  }
.LBB2_1:
.Ltmp3:
0x2b0: {  	(pc) =	sbr.rel .LBB2_6-.Ltmp3, $2  }
0x2b1: {  	_ =	sdelay $0x2  }
0x2b2: {  	s30 =	rddreg [dreg:$0x1c];
	s5 =	smov.u32 s4  }
.LBB2_3:
.Ltmp4:
0x2b3: {  	(pc) =	sbr.rel .LBB2_6-.Ltmp4, $3  }
0x2b4: {  	_ =	sdelay $0x1  }
0x2b5: {  	s30 =	rddreg [dreg:$0x1c]  }
0x2b6: {  	s5 =	smov.u32 s4;
	s31 =	rddreg [dreg:$0x4]  }
.Lfunc_end2:
_tile_overlayer_lowered:
.L_overlay_start_2:
0x2b7: {  	(tag) =	ssettag $0x2  }
0x2b8: {  	s0 =	rddreg [dreg:$0x0];
	s2 =	stileid.u32  }
0x2b9: {  	s1 =	rddreg [dreg:$0x1];
	p0 =	sne.s32 s2, $0x0  }
0x2ba: {  	s3 =	rddreg [dreg:$0x2];
	[bflag:$0x3] =	sbarrier.arrive $0xFFFF;
	s2 =	simm.s32 @!p0 $0x1C0B  }
0x2bb: {  	[timem:s3], [sflag:s2] =	dma.local @!p0 [hbm:s0], s1  }
0x2bc: {  	s0 =	simm.s32 @!p0 $0xB  }
0x2bd: {  	_ =	swait.ge @!p0 [sflag:s0], s1  }
0x2be: {  	s1 =	ssub.s32 @!p0 $0x0, s1;
	[sflag:s0] =	ssyncset.done @!p0 $0x0  }
0x2bf: {  	[sflag:s0] =	ssyncadd.s32 @!p0 s1  }
0x2c0: {  	[bflag:$0x3] =	sbarrier.arrive $0xFFFF  }
0x2c1: {  	_ =	shalt  }

</sc_bundles>
